<compile_context>
chip_gen: v7x
topology: tpu7x:2x2x1
jax: 0.10.2.dev20260603
libtpu: 0.0.44.dev20260713+nightly
codegen_flags: <defaults>
</compile_context>

<pallas_src>
import functools

import jax
import jax.numpy as jnp
from jax import lax
from jax.experimental import pallas as pl
from jax.experimental.pallas import tpu as pltpu
from jax.experimental.pallas import tpu_sc as plsc

N_WORKERS = 32
CHUNK = 64


def kernel(atom_number, embedding_list):
    B, = atom_number.shape
    V, D = embedding_list.shape
    b_per_w = B // N_WORKERS
    n_chunks = b_per_w // CHUNK

    mesh = plsc.VectorSubcoreMesh(core_axis_name="c", subcore_axis_name="s")

    @functools.partial(
        pl.kernel,
        mesh=mesh,
        out_type=jax.ShapeDtypeStruct((B, D), jnp.float32),
        scratch_types=[
            pltpu.VMEM_SHARED((V, D), jnp.float32),
            pltpu.VMEM((b_per_w,), jnp.int32),
            pltpu.VMEM((b_per_w, D), jnp.float32),
            [pltpu.SemaphoreType.DMA] * n_chunks,
            pltpu.SemaphoreType.DMA,
        ],
    )
    def gather_kernel(table_hbm, idx_hbm, out_hbm, table_sp, idx_v, rows_v,
                      gsems, osem):
        s = lax.axis_index("s")
        c = lax.axis_index("c")
        wid = s * 2 + c

        @pl.when(s == 0)
        def _():
            pltpu.sync_copy(table_hbm, table_sp)

        pltpu.sync_copy(idx_hbm.at[pl.ds(wid * b_per_w, b_per_w)], idx_v)
        plsc.subcore_barrier()

        gathers = [
            pltpu.async_copy(
                table_sp.at[idx_v.at[pl.ds(j * CHUNK, CHUNK)]],
                rows_v.at[pl.ds(j * CHUNK, CHUNK)],
                gsems[j],
            )
            for j in range(n_chunks)
        ]
        outs = []
        for j in range(n_chunks):
            gathers[j].wait()
            outs.append(
                pltpu.async_copy(
                    rows_v.at[pl.ds(j * CHUNK, CHUNK)],
                    out_hbm.at[pl.ds(wid * b_per_w + j * CHUNK, CHUNK)],
                    osem,
                )
            )
        for o in outs:
            o.wait()

    return gather_kernel(embedding_list, atom_number)

# --- scband reference (transcript-rebuilt; emitter-appended) ---
"""Pipeline reference for scband-dtnnembedding-37280316129531 (READ-ONLY COPY).

The authoritative reference and input builder live on the scoring server;
editing this copy changes nothing except your own understanding.
"""

import jax, jax.numpy as jnp
import numpy as np

PERIODIC_TABLE_LENGTH = 83
N_EMBEDDING = 128
N_ATOMS = 16384


def _glorot_uniform(key, shape):
    fan_in, fan_out = shape[0], shape[1]
    limit = np.sqrt(6.0 / (fan_in + fan_out))
    return jax.random.uniform(key, shape, dtype=jnp.float32, minval=-limit, maxval=limit)


def setup_inputs(seed: int = 0) -> dict:
    key = jax.random.key(seed)
    k_idx, k_tab = jax.random.split(key)
    atom_number = jax.random.randint(k_idx, (N_ATOMS,), 0, PERIODIC_TABLE_LENGTH, dtype=jnp.int64 if jax.config.read('jax_enable_x64') else jnp.int32)
    embedding_list = _glorot_uniform(k_tab, (PERIODIC_TABLE_LENGTH, N_EMBEDDING))
    return {"atom_number": atom_number, "embedding_list": embedding_list}


def reference(atom_number, embedding_list):
    # DTNNEmbedding.call: tf.nn.embedding_lookup(self.embedding_list, atom_number)
    return jnp.take(embedding_list, atom_number, axis=0)

if __name__ == "__main__":
    import jax
    _d = setup_inputs()
    print(jax.jit(kernel)(*tuple(_d.values())))

</pallas_src>

<mosaic_0001>
#map = affine_map<(d0, d1) -> (0, 0)>
#map1 = affine_map<(d0, d1) -> (0)>
module attributes {stable_mosaic.version = 14 : i64} {
  func.func @gather_kernel(%arg0: i32, %arg1: i32, %arg2: memref<83x128xf32, #tpu.memory_space<hbm>>, %arg3: memref<16384xi32, #tpu.memory_space<hbm>>, %arg4: memref<16384x128xf32, #tpu.memory_space<hbm>>, %arg5: memref<83x128xf32, #tpu.memory_space<vmem_shared>>, %arg6: memref<512xi32, #tpu.memory_space<vmem>>, %arg7: memref<512x128xf32, #tpu.memory_space<vmem>>, %arg8: memref<!tpu.dma_semaphore, #tpu.memory_space<semaphore_mem>>, %arg9: memref<!tpu.dma_semaphore, #tpu.memory_space<semaphore_mem>>, %arg10: memref<!tpu.dma_semaphore, #tpu.memory_space<semaphore_mem>>, %arg11: memref<!tpu.dma_semaphore, #tpu.memory_space<semaphore_mem>>, %arg12: memref<!tpu.dma_semaphore, #tpu.memory_space<semaphore_mem>>, %arg13: memref<!tpu.dma_semaphore, #tpu.memory_space<semaphore_mem>>, %arg14: memref<!tpu.dma_semaphore, #tpu.memory_space<semaphore_mem>>, %arg15: memref<!tpu.dma_semaphore, #tpu.memory_space<semaphore_mem>>, %arg16: memref<!tpu.dma_semaphore, #tpu.memory_space<semaphore_mem>>) attributes {dimension_semantics = [#tpu.dimension_semantics<core_parallel>, #tpu.dimension_semantics<subcore_parallel>], iteration_bounds = array<i64: 2, 16>, scalar_prefetch = 0 : i64, scratch_operands = 12 : i64, tpu.core_type = #tpu.core_type<sc_vector_subcore>, window_params = [{transform_indices = #map}, {transform_indices = #map1}, {transform_indices = #map}]} {
    %mul3A = arith.constant 2 : i32
    %mul3A_0 = arith.muli %arg1, %mul3A : i32
    %add3A = arith.addi %mul3A_0, %arg0 : i32
    %eq3A = arith.constant 0 : i32
    %eq3A_1 = arith.cmpi eq, %arg1, %eq3A : i32
    %convert_element_type3A = arith.extui %eq3A_1 : i1 to i32
    %cond3A = arith.constant 0 : i32
    %cond3A_2 = arith.cmpi ne, %convert_element_type3A, %cond3A : i32
    scf.if %cond3A_2 {
      "tpu.region"() ({
        %run_scoped3A = tpu.sem_alloc : memref<!tpu.dma_semaphore, #tpu.memory_space<semaphore_mem>>
        tpu.enqueue_dma source(%arg2 : memref<83x128xf32, #tpu.memory_space<hbm>>) target(%arg5 : memref<83x128xf32, #tpu.memory_space<vmem_shared>>) target_semaphore(%run_scoped3A : memref<!tpu.dma_semaphore, #tpu.memory_space<semaphore_mem>>)
        tpu.wait_dma2 semaphore(%run_scoped3A : memref<!tpu.dma_semaphore, #tpu.memory_space<semaphore_mem>>) src(%arg2 : memref<83x128xf32, #tpu.memory_space<hbm>>) dst(%arg5 : memref<83x128xf32, #tpu.memory_space<vmem_shared>>)
        tpu.yield
      }) : () -> ()
    } else {
    }
    %mul3A_3 = arith.constant 512 : i32
    %mul3A_4 = arith.muli %add3A, %mul3A_3 : i32
    "tpu.region"() ({
      %run_scoped3A = tpu.sem_alloc : memref<!tpu.dma_semaphore, #tpu.memory_space<semaphore_mem>>
      %dma_start3A_323 = tpu.memref_slice %arg3[%mul3A_4] : memref<16384xi32, #tpu.memory_space<hbm>> -> memref<512xi32, #tpu.memory_space<hbm>>
      %dma_start3A_324 = tpu.memref_slice %arg3[%mul3A_4] : memref<16384xi32, #tpu.memory_space<hbm>> -> memref<512xi32, #tpu.memory_space<hbm>>
      tpu.enqueue_dma source(%dma_start3A_324 : memref<512xi32, #tpu.memory_space<hbm>>) target(%arg6 : memref<512xi32, #tpu.memory_space<vmem>>) target_semaphore(%run_scoped3A : memref<!tpu.dma_semaphore, #tpu.memory_space<semaphore_mem>>)
      %dma_wait3A_325 = tpu.memref_slice %arg3[%mul3A_4] : memref<16384xi32, #tpu.memory_space<hbm>> -> memref<512xi32, #tpu.memory_space<hbm>>
      %dma_wait3A_326 = tpu.memref_slice %arg3[%mul3A_4] : memref<16384xi32, #tpu.memory_space<hbm>> -> memref<512xi32, #tpu.memory_space<hbm>>
      tpu.wait_dma2 semaphore(%run_scoped3A : memref<!tpu.dma_semaphore, #tpu.memory_space<semaphore_mem>>) src(%dma_wait3A_326 : memref<512xi32, #tpu.memory_space<hbm>>) dst(%arg6 : memref<512xi32, #tpu.memory_space<vmem>>)
      tpu.yield
    }) : () -> ()
    %barrier3A = arith.constant 0 : index
    tpu.barrier barrier_id(%barrier3A)
    %dma_start3A = arith.constant 0 : i32
    %dma_start3A_5 = arith.constant 0 : i32
    %dma_start3A_6 = tpu.memref_slice %arg7[%dma_start3A, %dma_start3A_5] : memref<512x128xf32, #tpu.memory_space<vmem>> -> memref<64x128xf32, #tpu.memory_space<vmem>>
    %dma_start3A_7 = arith.constant 0 : i32
    %dma_start3A_8 = tpu.memref_slice %arg6[%dma_start3A_7] : memref<512xi32, #tpu.memory_space<vmem>> -> memref<64xi32, #tpu.memory_space<vmem>>
    %dma_start3A_9 = arith.constant 0 : i32
    %dma_start3A_10 = arith.constant 0 : i32
    %dma_start3A_11 = tpu.memref_slice %arg5[%dma_start3A_9, %dma_start3A_10] : memref<83x128xf32, #tpu.memory_space<vmem_shared>> -> memref<83x128xf32, #tpu.memory_space<vmem_shared>>
    tpu.enqueue_indirect_dma source(%dma_start3A_11 : memref<83x128xf32, #tpu.memory_space<vmem_shared>>) target(%dma_start3A_6 : memref<64x128xf32, #tpu.memory_space<vmem>>) offsets(%dma_start3A_8 : memref<64xi32, #tpu.memory_space<vmem>>) semaphore(%arg8 : memref<!tpu.dma_semaphore, #tpu.memory_space<semaphore_mem>>)
    %dma_start3A_12 = arith.constant 64 : i32
    %dma_start3A_13 = arith.constant 0 : i32
    %dma_start3A_14 = tpu.memref_slice %arg7[%dma_start3A_12, %dma_start3A_13] : memref<512x128xf32, #tpu.memory_space<vmem>> -> memref<64x128xf32, #tpu.memory_space<vmem>>
    %dma_start3A_15 = arith.constant 64 : i32
    %dma_start3A_16 = tpu.memref_slice %arg6[%dma_start3A_15] : memref<512xi32, #tpu.memory_space<vmem>> -> memref<64xi32, #tpu.memory_space<vmem>>
    %dma_start3A_17 = arith.constant 0 : i32
    %dma_start3A_18 = arith.constant 0 : i32
    %dma_start3A_19 = tpu.memref_slice %arg5[%dma_start3A_17, %dma_start3A_18] : memref<83x128xf32, #tpu.memory_space<vmem_shared>> -> memref<83x128xf32, #tpu.memory_space<vmem_shared>>
    tpu.enqueue_indirect_dma source(%dma_start3A_19 : memref<83x128xf32, #tpu.memory_space<vmem_shared>>) target(%dma_start3A_14 : memref<64x128xf32, #tpu.memory_space<vmem>>) offsets(%dma_start3A_16 : memref<64xi32, #tpu.memory_space<vmem>>) semaphore(%arg9 : memref<!tpu.dma_semaphore, #tpu.memory_space<semaphore_mem>>)
    %dma_start3A_20 = arith.constant 128 : i32
    %dma_start3A_21 = arith.constant 0 : i32
    %dma_start3A_22 = tpu.memref_slice %arg7[%dma_start3A_20, %dma_start3A_21] : memref<512x128xf32, #tpu.memory_space<vmem>> -> memref<64x128xf32, #tpu.memory_space<vmem>>
    %dma_start3A_23 = arith.constant 128 : i32
    %dma_start3A_24 = tpu.memref_slice %arg6[%dma_start3A_23] : memref<512xi32, #tpu.memory_space<vmem>> -> memref<64xi32, #tpu.memory_space<vmem>>
    %dma_start3A_25 = arith.constant 0 : i32
    %dma_start3A_26 = arith.constant 0 : i32
    %dma_start3A_27 = tpu.memref_slice %arg5[%dma_start3A_25, %dma_start3A_26] : memref<83x128xf32, #tpu.memory_space<vmem_shared>> -> memref<83x128xf32, #tpu.memory_space<vmem_shared>>
    tpu.enqueue_indirect_dma source(%dma_start3A_27 : memref<83x128xf32, #tpu.memory_space<vmem_shared>>) target(%dma_start3A_22 : memref<64x128xf32, #tpu.memory_space<vmem>>) offsets(%dma_start3A_24 : memref<64xi32, #tpu.memory_space<vmem>>) semaphore(%arg10 : memref<!tpu.dma_semaphore, #tpu.memory_space<semaphore_mem>>)
    %dma_start3A_28 = arith.constant 192 : i32
    %dma_start3A_29 = arith.constant 0 : i32
    %dma_start3A_30 = tpu.memref_slice %arg7[%dma_start3A_28, %dma_start3A_29] : memref<512x128xf32, #tpu.memory_space<vmem>> -> memref<64x128xf32, #tpu.memory_space<vmem>>
    %dma_start3A_31 = arith.constant 192 : i32
    %dma_start3A_32 = tpu.memref_slice %arg6[%dma_start3A_31] : memref<512xi32, #tpu.memory_space<vmem>> -> memref<64xi32, #tpu.memory_space<vmem>>
    %dma_start3A_33 = arith.constant 0 : i32
    %dma_start3A_34 = arith.constant 0 : i32
    %dma_start3A_35 = tpu.memref_slice %arg5[%dma_start3A_33, %dma_start3A_34] : memref<83x128xf32, #tpu.memory_space<vmem_shared>> -> memref<83x128xf32, #tpu.memory_space<vmem_shared>>
    tpu.enqueue_indirect_dma source(%dma_start3A_35 : memref<83x128xf32, #tpu.memory_space<vmem_shared>>) target(%dma_start3A_30 : memref<64x128xf32, #tpu.memory_space<vmem>>) offsets(%dma_start3A_32 : memref<64xi32, #tpu.memory_space<vmem>>) semaphore(%arg11 : memref<!tpu.dma_semaphore, #tpu.memory_space<semaphore_mem>>)
    %dma_start3A_36 = arith.constant 256 : i32
    %dma_start3A_37 = arith.constant 0 : i32
    %dma_start3A_38 = tpu.memref_slice %arg7[%dma_start3A_36, %dma_start3A_37] : memref<512x128xf32, #tpu.memory_space<vmem>> -> memref<64x128xf32, #tpu.memory_space<vmem>>
    %dma_start3A_39 = arith.constant 256 : i32
    %dma_start3A_40 = tpu.memref_slice %arg6[%dma_start3A_39] : memref<512xi32, #tpu.memory_space<vmem>> -> memref<64xi32, #tpu.memory_space<vmem>>
    %dma_start3A_41 = arith.constant 0 : i32
    %dma_start3A_42 = arith.constant 0 : i32
    %dma_start3A_43 = tpu.memref_slice %arg5[%dma_start3A_41, %dma_start3A_42] : memref<83x128xf32, #tpu.memory_space<vmem_shared>> -> memref<83x128xf32, #tpu.memory_space<vmem_shared>>
    tpu.enqueue_indirect_dma source(%dma_start3A_43 : memref<83x128xf32, #tpu.memory_space<vmem_shared>>) target(%dma_start3A_38 : memref<64x128xf32, #tpu.memory_space<vmem>>) offsets(%dma_start3A_40 : memref<64xi32, #tpu.memory_space<vmem>>) semaphore(%arg12 : memref<!tpu.dma_semaphore, #tpu.memory_space<semaphore_mem>>)
    %dma_start3A_44 = arith.constant 320 : i32
    %dma_start3A_45 = arith.constant 0 : i32
    %dma_start3A_46 = tpu.memref_slice %arg7[%dma_start3A_44, %dma_start3A_45] : memref<512x128xf32, #tpu.memory_space<vmem>> -> memref<64x128xf32, #tpu.memory_space<vmem>>
    %dma_start3A_47 = arith.constant 320 : i32
    %dma_start3A_48 = tpu.memref_slice %arg6[%dma_start3A_47] : memref<512xi32, #tpu.memory_space<vmem>> -> memref<64xi32, #tpu.memory_space<vmem>>
    %dma_start3A_49 = arith.constant 0 : i32
    %dma_start3A_50 = arith.constant 0 : i32
    %dma_start3A_51 = tpu.memref_slice %arg5[%dma_start3A_49, %dma_start3A_50] : memref<83x128xf32, #tpu.memory_space<vmem_shared>> -> memref<83x128xf32, #tpu.memory_space<vmem_shared>>
    tpu.enqueue_indirect_dma source(%dma_start3A_51 : memref<83x128xf32, #tpu.memory_space<vmem_shared>>) target(%dma_start3A_46 : memref<64x128xf32, #tpu.memory_space<vmem>>) offsets(%dma_start3A_48 : memref<64xi32, #tpu.memory_space<vmem>>) semaphore(%arg13 : memref<!tpu.dma_semaphore, #tpu.memory_space<semaphore_mem>>)
    %dma_start3A_52 = arith.constant 384 : i32
    %dma_start3A_53 = arith.constant 0 : i32
    %dma_start3A_54 = tpu.memref_slice %arg7[%dma_start3A_52, %dma_start3A_53] : memref<512x128xf32, #tpu.memory_space<vmem>> -> memref<64x128xf32, #tpu.memory_space<vmem>>
    %dma_start3A_55 = arith.constant 384 : i32
    %dma_start3A_56 = tpu.memref_slice %arg6[%dma_start3A_55] : memref<512xi32, #tpu.memory_space<vmem>> -> memref<64xi32, #tpu.memory_space<vmem>>
    %dma_start3A_57 = arith.constant 0 : i32
    %dma_start3A_58 = arith.constant 0 : i32
    %dma_start3A_59 = tpu.memref_slice %arg5[%dma_start3A_57, %dma_start3A_58] : memref<83x128xf32, #tpu.memory_space<vmem_shared>> -> memref<83x128xf32, #tpu.memory_space<vmem_shared>>
    tpu.enqueue_indirect_dma source(%dma_start3A_59 : memref<83x128xf32, #tpu.memory_space<vmem_shared>>) target(%dma_start3A_54 : memref<64x128xf32, #tpu.memory_space<vmem>>) offsets(%dma_start3A_56 : memref<64xi32, #tpu.memory_space<vmem>>) semaphore(%arg14 : memref<!tpu.dma_semaphore, #tpu.memory_space<semaphore_mem>>)
    %dma_start3A_60 = arith.constant 448 : i32
    %dma_start3A_61 = arith.constant 0 : i32
    %dma_start3A_62 = tpu.memref_slice %arg7[%dma_start3A_60, %dma_start3A_61] : memref<512x128xf32, #tpu.memory_space<vmem>> -> memref<64x128xf32, #tpu.memory_space<vmem>>
    %dma_start3A_63 = arith.constant 448 : i32
    %dma_start3A_64 = tpu.memref_slice %arg6[%dma_start3A_63] : memref<512xi32, #tpu.memory_space<vmem>> -> memref<64xi32, #tpu.memory_space<vmem>>
    %dma_start3A_65 = arith.constant 0 : i32
    %dma_start3A_66 = arith.constant 0 : i32
    %dma_start3A_67 = tpu.memref_slice %arg5[%dma_start3A_65, %dma_start3A_66] : memref<83x128xf32, #tpu.memory_space<vmem_shared>> -> memref<83x128xf32, #tpu.memory_space<vmem_shared>>
    tpu.enqueue_indirect_dma source(%dma_start3A_67 : memref<83x128xf32, #tpu.memory_space<vmem_shared>>) target(%dma_start3A_62 : memref<64x128xf32, #tpu.memory_space<vmem>>) offsets(%dma_start3A_64 : memref<64xi32, #tpu.memory_space<vmem>>) semaphore(%arg15 : memref<!tpu.dma_semaphore, #tpu.memory_space<semaphore_mem>>)
    %dma_wait3A = arith.constant 0 : i32
    %dma_wait3A_68 = arith.constant 0 : i32
    %dma_wait3A_69 = tpu.memref_slice %arg7[%dma_wait3A, %dma_wait3A_68] : memref<512x128xf32, #tpu.memory_space<vmem>> -> memref<64x128xf32, #tpu.memory_space<vmem>>
    %dma_wait3A_70 = arith.constant 0 : i32
    %dma_wait3A_71 = tpu.memref_slice %arg6[%dma_wait3A_70] : memref<512xi32, #tpu.memory_space<vmem>> -> memref<64xi32, #tpu.memory_space<vmem>>
    %dma_wait3A_72 = arith.constant 0 : i32
    %dma_wait3A_73 = arith.constant 0 : i32
    %dma_wait3A_74 = tpu.memref_slice %arg5[%dma_wait3A_72, %dma_wait3A_73] : memref<83x128xf32, #tpu.memory_space<vmem_shared>> -> memref<83x128xf32, #tpu.memory_space<vmem_shared>>
    tpu.wait_indirect_dma semaphore(%arg8 : memref<!tpu.dma_semaphore, #tpu.memory_space<semaphore_mem>>) src(%dma_wait3A_74 : memref<83x128xf32, #tpu.memory_space<vmem_shared>>) dst(%dma_wait3A_69 : memref<64x128xf32, #tpu.memory_space<vmem>>)
    %mul3A_75 = arith.constant 512 : i32
    %mul3A_76 = arith.muli %add3A, %mul3A_75 : i32
    %add3A_77 = arith.constant 0 : i32
    %add3A_78 = arith.addi %mul3A_76, %add3A_77 : i32
    %dma_start3A_79 = arith.constant 0 : i32
    %dma_start3A_80 = arith.constant 0 : i32
    %dma_start3A_81 = tpu.memref_slice %arg7[%dma_start3A_79, %dma_start3A_80] : memref<512x128xf32, #tpu.memory_space<vmem>> -> memref<64x128xf32, #tpu.memory_space<vmem>>
    %dma_start3A_82 = arith.constant 0 : i32
    %dma_start3A_83 = tpu.memref_slice %arg4[%add3A_78, %dma_start3A_82] : memref<16384x128xf32, #tpu.memory_space<hbm>> -> memref<64x128xf32, #tpu.memory_space<hbm>>
    %dma_start3A_84 = arith.constant 0 : i32
    %dma_start3A_85 = tpu.memref_slice %arg4[%add3A_78, %dma_start3A_84] : memref<16384x128xf32, #tpu.memory_space<hbm>> -> memref<64x128xf32, #tpu.memory_space<hbm>>
    %dma_start3A_86 = arith.constant 0 : i32
    %dma_start3A_87 = arith.constant 0 : i32
    %dma_start3A_88 = tpu.memref_slice %arg7[%dma_start3A_86, %dma_start3A_87] : memref<512x128xf32, #tpu.memory_space<vmem>> -> memref<64x128xf32, #tpu.memory_space<vmem>>
    tpu.enqueue_dma source(%dma_start3A_88 : memref<64x128xf32, #tpu.memory_space<vmem>>) target(%dma_start3A_85 : memref<64x128xf32, #tpu.memory_space<hbm>>) target_semaphore(%arg16 : memref<!tpu.dma_semaphore, #tpu.memory_space<semaphore_mem>>)
    %dma_wait3A_89 = arith.constant 64 : i32
    %dma_wait3A_90 = arith.constant 0 : i32
    %dma_wait3A_91 = tpu.memref_slice %arg7[%dma_wait3A_89, %dma_wait3A_90] : memref<512x128xf32, #tpu.memory_space<vmem>> -> memref<64x128xf32, #tpu.memory_space<vmem>>
    %dma_wait3A_92 = arith.constant 64 : i32
    %dma_wait3A_93 = tpu.memref_slice %arg6[%dma_wait3A_92] : memref<512xi32, #tpu.memory_space<vmem>> -> memref<64xi32, #tpu.memory_space<vmem>>
    %dma_wait3A_94 = arith.constant 0 : i32
    %dma_wait3A_95 = arith.constant 0 : i32
    %dma_wait3A_96 = tpu.memref_slice %arg5[%dma_wait3A_94, %dma_wait3A_95] : memref<83x128xf32, #tpu.memory_space<vmem_shared>> -> memref<83x128xf32, #tpu.memory_space<vmem_shared>>
    tpu.wait_indirect_dma semaphore(%arg9 : memref<!tpu.dma_semaphore, #tpu.memory_space<semaphore_mem>>) src(%dma_wait3A_96 : memref<83x128xf32, #tpu.memory_space<vmem_shared>>) dst(%dma_wait3A_91 : memref<64x128xf32, #tpu.memory_space<vmem>>)
    %mul3A_97 = arith.constant 512 : i32
    %mul3A_98 = arith.muli %add3A, %mul3A_97 : i32
    %add3A_99 = arith.constant 64 : i32
    %add3A_100 = arith.addi %mul3A_98, %add3A_99 : i32
    %dma_start3A_101 = arith.constant 64 : i32
    %dma_start3A_102 = arith.constant 0 : i32
    %dma_start3A_103 = tpu.memref_slice %arg7[%dma_start3A_101, %dma_start3A_102] : memref<512x128xf32, #tpu.memory_space<vmem>> -> memref<64x128xf32, #tpu.memory_space<vmem>>
    %dma_start3A_104 = arith.constant 0 : i32
    %dma_start3A_105 = tpu.memref_slice %arg4[%add3A_100, %dma_start3A_104] : memref<16384x128xf32, #tpu.memory_space<hbm>> -> memref<64x128xf32, #tpu.memory_space<hbm>>
    %dma_start3A_106 = arith.constant 0 : i32
    %dma_start3A_107 = tpu.memref_slice %arg4[%add3A_100, %dma_start3A_106] : memref<16384x128xf32, #tpu.memory_space<hbm>> -> memref<64x128xf32, #tpu.memory_space<hbm>>
    %dma_start3A_108 = arith.constant 64 : i32
    %dma_start3A_109 = arith.constant 0 : i32
    %dma_start3A_110 = tpu.memref_slice %arg7[%dma_start3A_108, %dma_start3A_109] : memref<512x128xf32, #tpu.memory_space<vmem>> -> memref<64x128xf32, #tpu.memory_space<vmem>>
    tpu.enqueue_dma source(%dma_start3A_110 : memref<64x128xf32, #tpu.memory_space<vmem>>) target(%dma_start3A_107 : memref<64x128xf32, #tpu.memory_space<hbm>>) target_semaphore(%arg16 : memref<!tpu.dma_semaphore, #tpu.memory_space<semaphore_mem>>)
    %dma_wait3A_111 = arith.constant 128 : i32
    %dma_wait3A_112 = arith.constant 0 : i32
    %dma_wait3A_113 = tpu.memref_slice %arg7[%dma_wait3A_111, %dma_wait3A_112] : memref<512x128xf32, #tpu.memory_space<vmem>> -> memref<64x128xf32, #tpu.memory_space<vmem>>
    %dma_wait3A_114 = arith.constant 128 : i32
    %dma_wait3A_115 = tpu.memref_slice %arg6[%dma_wait3A_114] : memref<512xi32, #tpu.memory_space<vmem>> -> memref<64xi32, #tpu.memory_space<vmem>>
    %dma_wait3A_116 = arith.constant 0 : i32
    %dma_wait3A_117 = arith.constant 0 : i32
    %dma_wait3A_118 = tpu.memref_slice %arg5[%dma_wait3A_116, %dma_wait3A_117] : memref<83x128xf32, #tpu.memory_space<vmem_shared>> -> memref<83x128xf32, #tpu.memory_space<vmem_shared>>
    tpu.wait_indirect_dma semaphore(%arg10 : memref<!tpu.dma_semaphore, #tpu.memory_space<semaphore_mem>>) src(%dma_wait3A_118 : memref<83x128xf32, #tpu.memory_space<vmem_shared>>) dst(%dma_wait3A_113 : memref<64x128xf32, #tpu.memory_space<vmem>>)
    %mul3A_119 = arith.constant 512 : i32
    %mul3A_120 = arith.muli %add3A, %mul3A_119 : i32
    %add3A_121 = arith.constant 128 : i32
    %add3A_122 = arith.addi %mul3A_120, %add3A_121 : i32
    %dma_start3A_123 = arith.constant 128 : i32
    %dma_start3A_124 = arith.constant 0 : i32
    %dma_start3A_125 = tpu.memref_slice %arg7[%dma_start3A_123, %dma_start3A_124] : memref<512x128xf32, #tpu.memory_space<vmem>> -> memref<64x128xf32, #tpu.memory_space<vmem>>
    %dma_start3A_126 = arith.constant 0 : i32
    %dma_start3A_127 = tpu.memref_slice %arg4[%add3A_122, %dma_start3A_126] : memref<16384x128xf32, #tpu.memory_space<hbm>> -> memref<64x128xf32, #tpu.memory_space<hbm>>
    %dma_start3A_128 = arith.constant 0 : i32
    %dma_start3A_129 = tpu.memref_slice %arg4[%add3A_122, %dma_start3A_128] : memref<16384x128xf32, #tpu.memory_space<hbm>> -> memref<64x128xf32, #tpu.memory_space<hbm>>
    %dma_start3A_130 = arith.constant 128 : i32
    %dma_start3A_131 = arith.constant 0 : i32
    %dma_start3A_132 = tpu.memref_slice %arg7[%dma_start3A_130, %dma_start3A_131] : memref<512x128xf32, #tpu.memory_space<vmem>> -> memref<64x128xf32, #tpu.memory_space<vmem>>
    tpu.enqueue_dma source(%dma_start3A_132 : memref<64x128xf32, #tpu.memory_space<vmem>>) target(%dma_start3A_129 : memref<64x128xf32, #tpu.memory_space<hbm>>) target_semaphore(%arg16 : memref<!tpu.dma_semaphore, #tpu.memory_space<semaphore_mem>>)
    %dma_wait3A_133 = arith.constant 192 : i32
    %dma_wait3A_134 = arith.constant 0 : i32
    %dma_wait3A_135 = tpu.memref_slice %arg7[%dma_wait3A_133, %dma_wait3A_134] : memref<512x128xf32, #tpu.memory_space<vmem>> -> memref<64x128xf32, #tpu.memory_space<vmem>>
    %dma_wait3A_136 = arith.constant 192 : i32
    %dma_wait3A_137 = tpu.memref_slice %arg6[%dma_wait3A_136] : memref<512xi32, #tpu.memory_space<vmem>> -> memref<64xi32, #tpu.memory_space<vmem>>
    %dma_wait3A_138 = arith.constant 0 : i32
    %dma_wait3A_139 = arith.constant 0 : i32
    %dma_wait3A_140 = tpu.memref_slice %arg5[%dma_wait3A_138, %dma_wait3A_139] : memref<83x128xf32, #tpu.memory_space<vmem_shared>> -> memref<83x128xf32, #tpu.memory_space<vmem_shared>>
    tpu.wait_indirect_dma semaphore(%arg11 : memref<!tpu.dma_semaphore, #tpu.memory_space<semaphore_mem>>) src(%dma_wait3A_140 : memref<83x128xf32, #tpu.memory_space<vmem_shared>>) dst(%dma_wait3A_135 : memref<64x128xf32, #tpu.memory_space<vmem>>)
    %mul3A_141 = arith.constant 512 : i32
    %mul3A_142 = arith.muli %add3A, %mul3A_141 : i32
    %add3A_143 = arith.constant 192 : i32
    %add3A_144 = arith.addi %mul3A_142, %add3A_143 : i32
    %dma_start3A_145 = arith.constant 192 : i32
    %dma_start3A_146 = arith.constant 0 : i32
    %dma_start3A_147 = tpu.memref_slice %arg7[%dma_start3A_145, %dma_start3A_146] : memref<512x128xf32, #tpu.memory_space<vmem>> -> memref<64x128xf32, #tpu.memory_space<vmem>>
    %dma_start3A_148 = arith.constant 0 : i32
    %dma_start3A_149 = tpu.memref_slice %arg4[%add3A_144, %dma_start3A_148] : memref<16384x128xf32, #tpu.memory_space<hbm>> -> memref<64x128xf32, #tpu.memory_space<hbm>>
    %dma_start3A_150 = arith.constant 0 : i32
    %dma_start3A_151 = tpu.memref_slice %arg4[%add3A_144, %dma_start3A_150] : memref<16384x128xf32, #tpu.memory_space<hbm>> -> memref<64x128xf32, #tpu.memory_space<hbm>>
    %dma_start3A_152 = arith.constant 192 : i32
    %dma_start3A_153 = arith.constant 0 : i32
    %dma_start3A_154 = tpu.memref_slice %arg7[%dma_start3A_152, %dma_start3A_153] : memref<512x128xf32, #tpu.memory_space<vmem>> -> memref<64x128xf32, #tpu.memory_space<vmem>>
    tpu.enqueue_dma source(%dma_start3A_154 : memref<64x128xf32, #tpu.memory_space<vmem>>) target(%dma_start3A_151 : memref<64x128xf32, #tpu.memory_space<hbm>>) target_semaphore(%arg16 : memref<!tpu.dma_semaphore, #tpu.memory_space<semaphore_mem>>)
    %dma_wait3A_155 = arith.constant 256 : i32
    %dma_wait3A_156 = arith.constant 0 : i32
    %dma_wait3A_157 = tpu.memref_slice %arg7[%dma_wait3A_155, %dma_wait3A_156] : memref<512x128xf32, #tpu.memory_space<vmem>> -> memref<64x128xf32, #tpu.memory_space<vmem>>
    %dma_wait3A_158 = arith.constant 256 : i32
    %dma_wait3A_159 = tpu.memref_slice %arg6[%dma_wait3A_158] : memref<512xi32, #tpu.memory_space<vmem>> -> memref<64xi32, #tpu.memory_space<vmem>>
    %dma_wait3A_160 = arith.constant 0 : i32
    %dma_wait3A_161 = arith.constant 0 : i32
    %dma_wait3A_162 = tpu.memref_slice %arg5[%dma_wait3A_160, %dma_wait3A_161] : memref<83x128xf32, #tpu.memory_space<vmem_shared>> -> memref<83x128xf32, #tpu.memory_space<vmem_shared>>
    tpu.wait_indirect_dma semaphore(%arg12 : memref<!tpu.dma_semaphore, #tpu.memory_space<semaphore_mem>>) src(%dma_wait3A_162 : memref<83x128xf32, #tpu.memory_space<vmem_shared>>) dst(%dma_wait3A_157 : memref<64x128xf32, #tpu.memory_space<vmem>>)
    %mul3A_163 = arith.constant 512 : i32
    %mul3A_164 = arith.muli %add3A, %mul3A_163 : i32
    %add3A_165 = arith.constant 256 : i32
    %add3A_166 = arith.addi %mul3A_164, %add3A_165 : i32
    %dma_start3A_167 = arith.constant 256 : i32
    %dma_start3A_168 = arith.constant 0 : i32
    %dma_start3A_169 = tpu.memref_slice %arg7[%dma_start3A_167, %dma_start3A_168] : memref<512x128xf32, #tpu.memory_space<vmem>> -> memref<64x128xf32, #tpu.memory_space<vmem>>
    %dma_start3A_170 = arith.constant 0 : i32
    %dma_start3A_171 = tpu.memref_slice %arg4[%add3A_166, %dma_start3A_170] : memref<16384x128xf32, #tpu.memory_space<hbm>> -> memref<64x128xf32, #tpu.memory_space<hbm>>
    %dma_start3A_172 = arith.constant 0 : i32
    %dma_start3A_173 = tpu.memref_slice %arg4[%add3A_166, %dma_start3A_172] : memref<16384x128xf32, #tpu.memory_space<hbm>> -> memref<64x128xf32, #tpu.memory_space<hbm>>
    %dma_start3A_174 = arith.constant 256 : i32
    %dma_start3A_175 = arith.constant 0 : i32
    %dma_start3A_176 = tpu.memref_slice %arg7[%dma_start3A_174, %dma_start3A_175] : memref<512x128xf32, #tpu.memory_space<vmem>> -> memref<64x128xf32, #tpu.memory_space<vmem>>
    tpu.enqueue_dma source(%dma_start3A_176 : memref<64x128xf32, #tpu.memory_space<vmem>>) target(%dma_start3A_173 : memref<64x128xf32, #tpu.memory_space<hbm>>) target_semaphore(%arg16 : memref<!tpu.dma_semaphore, #tpu.memory_space<semaphore_mem>>)
    %dma_wait3A_177 = arith.constant 320 : i32
    %dma_wait3A_178 = arith.constant 0 : i32
    %dma_wait3A_179 = tpu.memref_slice %arg7[%dma_wait3A_177, %dma_wait3A_178] : memref<512x128xf32, #tpu.memory_space<vmem>> -> memref<64x128xf32, #tpu.memory_space<vmem>>
    %dma_wait3A_180 = arith.constant 320 : i32
    %dma_wait3A_181 = tpu.memref_slice %arg6[%dma_wait3A_180] : memref<512xi32, #tpu.memory_space<vmem>> -> memref<64xi32, #tpu.memory_space<vmem>>
    %dma_wait3A_182 = arith.constant 0 : i32
    %dma_wait3A_183 = arith.constant 0 : i32
    %dma_wait3A_184 = tpu.memref_slice %arg5[%dma_wait3A_182, %dma_wait3A_183] : memref<83x128xf32, #tpu.memory_space<vmem_shared>> -> memref<83x128xf32, #tpu.memory_space<vmem_shared>>
    tpu.wait_indirect_dma semaphore(%arg13 : memref<!tpu.dma_semaphore, #tpu.memory_space<semaphore_mem>>) src(%dma_wait3A_184 : memref<83x128xf32, #tpu.memory_space<vmem_shared>>) dst(%dma_wait3A_179 : memref<64x128xf32, #tpu.memory_space<vmem>>)
    %mul3A_185 = arith.constant 512 : i32
    %mul3A_186 = arith.muli %add3A, %mul3A_185 : i32
    %add3A_187 = arith.constant 320 : i32
    %add3A_188 = arith.addi %mul3A_186, %add3A_187 : i32
    %dma_start3A_189 = arith.constant 320 : i32
    %dma_start3A_190 = arith.constant 0 : i32
    %dma_start3A_191 = tpu.memref_slice %arg7[%dma_start3A_189, %dma_start3A_190] : memref<512x128xf32, #tpu.memory_space<vmem>> -> memref<64x128xf32, #tpu.memory_space<vmem>>
    %dma_start3A_192 = arith.constant 0 : i32
    %dma_start3A_193 = tpu.memref_slice %arg4[%add3A_188, %dma_start3A_192] : memref<16384x128xf32, #tpu.memory_space<hbm>> -> memref<64x128xf32, #tpu.memory_space<hbm>>
    %dma_start3A_194 = arith.constant 0 : i32
    %dma_start3A_195 = tpu.memref_slice %arg4[%add3A_188, %dma_start3A_194] : memref<16384x128xf32, #tpu.memory_space<hbm>> -> memref<64x128xf32, #tpu.memory_space<hbm>>
    %dma_start3A_196 = arith.constant 320 : i32
    %dma_start3A_197 = arith.constant 0 : i32
    %dma_start3A_198 = tpu.memref_slice %arg7[%dma_start3A_196, %dma_start3A_197] : memref<512x128xf32, #tpu.memory_space<vmem>> -> memref<64x128xf32, #tpu.memory_space<vmem>>
    tpu.enqueue_dma source(%dma_start3A_198 : memref<64x128xf32, #tpu.memory_space<vmem>>) target(%dma_start3A_195 : memref<64x128xf32, #tpu.memory_space<hbm>>) target_semaphore(%arg16 : memref<!tpu.dma_semaphore, #tpu.memory_space<semaphore_mem>>)
    %dma_wait3A_199 = arith.constant 384 : i32
    %dma_wait3A_200 = arith.constant 0 : i32
    %dma_wait3A_201 = tpu.memref_slice %arg7[%dma_wait3A_199, %dma_wait3A_200] : memref<512x128xf32, #tpu.memory_space<vmem>> -> memref<64x128xf32, #tpu.memory_space<vmem>>
    %dma_wait3A_202 = arith.constant 384 : i32
    %dma_wait3A_203 = tpu.memref_slice %arg6[%dma_wait3A_202] : memref<512xi32, #tpu.memory_space<vmem>> -> memref<64xi32, #tpu.memory_space<vmem>>
    %dma_wait3A_204 = arith.constant 0 : i32
    %dma_wait3A_205 = arith.constant 0 : i32
    %dma_wait3A_206 = tpu.memref_slice %arg5[%dma_wait3A_204, %dma_wait3A_205] : memref<83x128xf32, #tpu.memory_space<vmem_shared>> -> memref<83x128xf32, #tpu.memory_space<vmem_shared>>
    tpu.wait_indirect_dma semaphore(%arg14 : memref<!tpu.dma_semaphore, #tpu.memory_space<semaphore_mem>>) src(%dma_wait3A_206 : memref<83x128xf32, #tpu.memory_space<vmem_shared>>) dst(%dma_wait3A_201 : memref<64x128xf32, #tpu.memory_space<vmem>>)
    %mul3A_207 = arith.constant 512 : i32
    %mul3A_208 = arith.muli %add3A, %mul3A_207 : i32
    %add3A_209 = arith.constant 384 : i32
    %add3A_210 = arith.addi %mul3A_208, %add3A_209 : i32
    %dma_start3A_211 = arith.constant 384 : i32
    %dma_start3A_212 = arith.constant 0 : i32
    %dma_start3A_213 = tpu.memref_slice %arg7[%dma_start3A_211, %dma_start3A_212] : memref<512x128xf32, #tpu.memory_space<vmem>> -> memref<64x128xf32, #tpu.memory_space<vmem>>
    %dma_start3A_214 = arith.constant 0 : i32
    %dma_start3A_215 = tpu.memref_slice %arg4[%add3A_210, %dma_start3A_214] : memref<16384x128xf32, #tpu.memory_space<hbm>> -> memref<64x128xf32, #tpu.memory_space<hbm>>
    %dma_start3A_216 = arith.constant 0 : i32
    %dma_start3A_217 = tpu.memref_slice %arg4[%add3A_210, %dma_start3A_216] : memref<16384x128xf32, #tpu.memory_space<hbm>> -> memref<64x128xf32, #tpu.memory_space<hbm>>
    %dma_start3A_218 = arith.constant 384 : i32
    %dma_start3A_219 = arith.constant 0 : i32
    %dma_start3A_220 = tpu.memref_slice %arg7[%dma_start3A_218, %dma_start3A_219] : memref<512x128xf32, #tpu.memory_space<vmem>> -> memref<64x128xf32, #tpu.memory_space<vmem>>
    tpu.enqueue_dma source(%dma_start3A_220 : memref<64x128xf32, #tpu.memory_space<vmem>>) target(%dma_start3A_217 : memref<64x128xf32, #tpu.memory_space<hbm>>) target_semaphore(%arg16 : memref<!tpu.dma_semaphore, #tpu.memory_space<semaphore_mem>>)
    %dma_wait3A_221 = arith.constant 448 : i32
    %dma_wait3A_222 = arith.constant 0 : i32
    %dma_wait3A_223 = tpu.memref_slice %arg7[%dma_wait3A_221, %dma_wait3A_222] : memref<512x128xf32, #tpu.memory_space<vmem>> -> memref<64x128xf32, #tpu.memory_space<vmem>>
    %dma_wait3A_224 = arith.constant 448 : i32
    %dma_wait3A_225 = tpu.memref_slice %arg6[%dma_wait3A_224] : memref<512xi32, #tpu.memory_space<vmem>> -> memref<64xi32, #tpu.memory_space<vmem>>
    %dma_wait3A_226 = arith.constant 0 : i32
    %dma_wait3A_227 = arith.constant 0 : i32
    %dma_wait3A_228 = tpu.memref_slice %arg5[%dma_wait3A_226, %dma_wait3A_227] : memref<83x128xf32, #tpu.memory_space<vmem_shared>> -> memref<83x128xf32, #tpu.memory_space<vmem_shared>>
    tpu.wait_indirect_dma semaphore(%arg15 : memref<!tpu.dma_semaphore, #tpu.memory_space<semaphore_mem>>) src(%dma_wait3A_228 : memref<83x128xf32, #tpu.memory_space<vmem_shared>>) dst(%dma_wait3A_223 : memref<64x128xf32, #tpu.memory_space<vmem>>)
    %mul3A_229 = arith.constant 512 : i32
    %mul3A_230 = arith.muli %add3A, %mul3A_229 : i32
    %add3A_231 = arith.constant 448 : i32
    %add3A_232 = arith.addi %mul3A_230, %add3A_231 : i32
    %dma_start3A_233 = arith.constant 448 : i32
    %dma_start3A_234 = arith.constant 0 : i32
    %dma_start3A_235 = tpu.memref_slice %arg7[%dma_start3A_233, %dma_start3A_234] : memref<512x128xf32, #tpu.memory_space<vmem>> -> memref<64x128xf32, #tpu.memory_space<vmem>>
    %dma_start3A_236 = arith.constant 0 : i32
    %dma_start3A_237 = tpu.memref_slice %arg4[%add3A_232, %dma_start3A_236] : memref<16384x128xf32, #tpu.memory_space<hbm>> -> memref<64x128xf32, #tpu.memory_space<hbm>>
    %dma_start3A_238 = arith.constant 0 : i32
    %dma_start3A_239 = tpu.memref_slice %arg4[%add3A_232, %dma_start3A_238] : memref<16384x128xf32, #tpu.memory_space<hbm>> -> memref<64x128xf32, #tpu.memory_space<hbm>>
    %dma_start3A_240 = arith.constant 448 : i32
    %dma_start3A_241 = arith.constant 0 : i32
    %dma_start3A_242 = tpu.memref_slice %arg7[%dma_start3A_240, %dma_start3A_241] : memref<512x128xf32, #tpu.memory_space<vmem>> -> memref<64x128xf32, #tpu.memory_space<vmem>>
    tpu.enqueue_dma source(%dma_start3A_242 : memref<64x128xf32, #tpu.memory_space<vmem>>) target(%dma_start3A_239 : memref<64x128xf32, #tpu.memory_space<hbm>>) target_semaphore(%arg16 : memref<!tpu.dma_semaphore, #tpu.memory_space<semaphore_mem>>)
    %dma_wait3A_243 = arith.constant 0 : i32
    %dma_wait3A_244 = arith.constant 0 : i32
    %dma_wait3A_245 = tpu.memref_slice %arg7[%dma_wait3A_243, %dma_wait3A_244] : memref<512x128xf32, #tpu.memory_space<vmem>> -> memref<64x128xf32, #tpu.memory_space<vmem>>
    %dma_wait3A_246 = arith.constant 0 : i32
    %dma_wait3A_247 = tpu.memref_slice %arg4[%add3A_78, %dma_wait3A_246] : memref<16384x128xf32, #tpu.memory_space<hbm>> -> memref<64x128xf32, #tpu.memory_space<hbm>>
    %dma_wait3A_248 = arith.constant 0 : i32
    %dma_wait3A_249 = tpu.memref_slice %arg4[%add3A_78, %dma_wait3A_248] : memref<16384x128xf32, #tpu.memory_space<hbm>> -> memref<64x128xf32, #tpu.memory_space<hbm>>
    %dma_wait3A_250 = arith.constant 0 : i32
    %dma_wait3A_251 = arith.constant 0 : i32
    %dma_wait3A_252 = tpu.memref_slice %arg7[%dma_wait3A_250, %dma_wait3A_251] : memref<512x128xf32, #tpu.memory_space<vmem>> -> memref<64x128xf32, #tpu.memory_space<vmem>>
    tpu.wait_dma2 semaphore(%arg16 : memref<!tpu.dma_semaphore, #tpu.memory_space<semaphore_mem>>) src(%dma_wait3A_252 : memref<64x128xf32, #tpu.memory_space<vmem>>) dst(%dma_wait3A_249 : memref<64x128xf32, #tpu.memory_space<hbm>>)
    %dma_wait3A_253 = arith.constant 64 : i32
    %dma_wait3A_254 = arith.constant 0 : i32
    %dma_wait3A_255 = tpu.memref_slice %arg7[%dma_wait3A_253, %dma_wait3A_254] : memref<512x128xf32, #tpu.memory_space<vmem>> -> memref<64x128xf32, #tpu.memory_space<vmem>>
    %dma_wait3A_256 = arith.constant 0 : i32
    %dma_wait3A_257 = tpu.memref_slice %arg4[%add3A_100, %dma_wait3A_256] : memref<16384x128xf32, #tpu.memory_space<hbm>> -> memref<64x128xf32, #tpu.memory_space<hbm>>
    %dma_wait3A_258 = arith.constant 0 : i32
    %dma_wait3A_259 = tpu.memref_slice %arg4[%add3A_100, %dma_wait3A_258] : memref<16384x128xf32, #tpu.memory_space<hbm>> -> memref<64x128xf32, #tpu.memory_space<hbm>>
    %dma_wait3A_260 = arith.constant 64 : i32
    %dma_wait3A_261 = arith.constant 0 : i32
    %dma_wait3A_262 = tpu.memref_slice %arg7[%dma_wait3A_260, %dma_wait3A_261] : memref<512x128xf32, #tpu.memory_space<vmem>> -> memref<64x128xf32, #tpu.memory_space<vmem>>
    tpu.wait_dma2 semaphore(%arg16 : memref<!tpu.dma_semaphore, #tpu.memory_space<semaphore_mem>>) src(%dma_wait3A_262 : memref<64x128xf32, #tpu.memory_space<vmem>>) dst(%dma_wait3A_259 : memref<64x128xf32, #tpu.memory_space<hbm>>)
    %dma_wait3A_263 = arith.constant 128 : i32
    %dma_wait3A_264 = arith.constant 0 : i32
    %dma_wait3A_265 = tpu.memref_slice %arg7[%dma_wait3A_263, %dma_wait3A_264] : memref<512x128xf32, #tpu.memory_space<vmem>> -> memref<64x128xf32, #tpu.memory_space<vmem>>
    %dma_wait3A_266 = arith.constant 0 : i32
    %dma_wait3A_267 = tpu.memref_slice %arg4[%add3A_122, %dma_wait3A_266] : memref<16384x128xf32, #tpu.memory_space<hbm>> -> memref<64x128xf32, #tpu.memory_space<hbm>>
    %dma_wait3A_268 = arith.constant 0 : i32
    %dma_wait3A_269 = tpu.memref_slice %arg4[%add3A_122, %dma_wait3A_268] : memref<16384x128xf32, #tpu.memory_space<hbm>> -> memref<64x128xf32, #tpu.memory_space<hbm>>
    %dma_wait3A_270 = arith.constant 128 : i32
    %dma_wait3A_271 = arith.constant 0 : i32
    %dma_wait3A_272 = tpu.memref_slice %arg7[%dma_wait3A_270, %dma_wait3A_271] : memref<512x128xf32, #tpu.memory_space<vmem>> -> memref<64x128xf32, #tpu.memory_space<vmem>>
    tpu.wait_dma2 semaphore(%arg16 : memref<!tpu.dma_semaphore, #tpu.memory_space<semaphore_mem>>) src(%dma_wait3A_272 : memref<64x128xf32, #tpu.memory_space<vmem>>) dst(%dma_wait3A_269 : memref<64x128xf32, #tpu.memory_space<hbm>>)
    %dma_wait3A_273 = arith.constant 192 : i32
    %dma_wait3A_274 = arith.constant 0 : i32
    %dma_wait3A_275 = tpu.memref_slice %arg7[%dma_wait3A_273, %dma_wait3A_274] : memref<512x128xf32, #tpu.memory_space<vmem>> -> memref<64x128xf32, #tpu.memory_space<vmem>>
    %dma_wait3A_276 = arith.constant 0 : i32
    %dma_wait3A_277 = tpu.memref_slice %arg4[%add3A_144, %dma_wait3A_276] : memref<16384x128xf32, #tpu.memory_space<hbm>> -> memref<64x128xf32, #tpu.memory_space<hbm>>
    %dma_wait3A_278 = arith.constant 0 : i32
    %dma_wait3A_279 = tpu.memref_slice %arg4[%add3A_144, %dma_wait3A_278] : memref<16384x128xf32, #tpu.memory_space<hbm>> -> memref<64x128xf32, #tpu.memory_space<hbm>>
    %dma_wait3A_280 = arith.constant 192 : i32
    %dma_wait3A_281 = arith.constant 0 : i32
    %dma_wait3A_282 = tpu.memref_slice %arg7[%dma_wait3A_280, %dma_wait3A_281] : memref<512x128xf32, #tpu.memory_space<vmem>> -> memref<64x128xf32, #tpu.memory_space<vmem>>
    tpu.wait_dma2 semaphore(%arg16 : memref<!tpu.dma_semaphore, #tpu.memory_space<semaphore_mem>>) src(%dma_wait3A_282 : memref<64x128xf32, #tpu.memory_space<vmem>>) dst(%dma_wait3A_279 : memref<64x128xf32, #tpu.memory_space<hbm>>)
    %dma_wait3A_283 = arith.constant 256 : i32
    %dma_wait3A_284 = arith.constant 0 : i32
    %dma_wait3A_285 = tpu.memref_slice %arg7[%dma_wait3A_283, %dma_wait3A_284] : memref<512x128xf32, #tpu.memory_space<vmem>> -> memref<64x128xf32, #tpu.memory_space<vmem>>
    %dma_wait3A_286 = arith.constant 0 : i32
    %dma_wait3A_287 = tpu.memref_slice %arg4[%add3A_166, %dma_wait3A_286] : memref<16384x128xf32, #tpu.memory_space<hbm>> -> memref<64x128xf32, #tpu.memory_space<hbm>>
    %dma_wait3A_288 = arith.constant 0 : i32
    %dma_wait3A_289 = tpu.memref_slice %arg4[%add3A_166, %dma_wait3A_288] : memref<16384x128xf32, #tpu.memory_space<hbm>> -> memref<64x128xf32, #tpu.memory_space<hbm>>
    %dma_wait3A_290 = arith.constant 256 : i32
    %dma_wait3A_291 = arith.constant 0 : i32
    %dma_wait3A_292 = tpu.memref_slice %arg7[%dma_wait3A_290, %dma_wait3A_291] : memref<512x128xf32, #tpu.memory_space<vmem>> -> memref<64x128xf32, #tpu.memory_space<vmem>>
    tpu.wait_dma2 semaphore(%arg16 : memref<!tpu.dma_semaphore, #tpu.memory_space<semaphore_mem>>) src(%dma_wait3A_292 : memref<64x128xf32, #tpu.memory_space<vmem>>) dst(%dma_wait3A_289 : memref<64x128xf32, #tpu.memory_space<hbm>>)
    %dma_wait3A_293 = arith.constant 320 : i32
    %dma_wait3A_294 = arith.constant 0 : i32
    %dma_wait3A_295 = tpu.memref_slice %arg7[%dma_wait3A_293, %dma_wait3A_294] : memref<512x128xf32, #tpu.memory_space<vmem>> -> memref<64x128xf32, #tpu.memory_space<vmem>>
    %dma_wait3A_296 = arith.constant 0 : i32
    %dma_wait3A_297 = tpu.memref_slice %arg4[%add3A_188, %dma_wait3A_296] : memref<16384x128xf32, #tpu.memory_space<hbm>> -> memref<64x128xf32, #tpu.memory_space<hbm>>
    %dma_wait3A_298 = arith.constant 0 : i32
    %dma_wait3A_299 = tpu.memref_slice %arg4[%add3A_188, %dma_wait3A_298] : memref<16384x128xf32, #tpu.memory_space<hbm>> -> memref<64x128xf32, #tpu.memory_space<hbm>>
    %dma_wait3A_300 = arith.constant 320 : i32
    %dma_wait3A_301 = arith.constant 0 : i32
    %dma_wait3A_302 = tpu.memref_slice %arg7[%dma_wait3A_300, %dma_wait3A_301] : memref<512x128xf32, #tpu.memory_space<vmem>> -> memref<64x128xf32, #tpu.memory_space<vmem>>
    tpu.wait_dma2 semaphore(%arg16 : memref<!tpu.dma_semaphore, #tpu.memory_space<semaphore_mem>>) src(%dma_wait3A_302 : memref<64x128xf32, #tpu.memory_space<vmem>>) dst(%dma_wait3A_299 : memref<64x128xf32, #tpu.memory_space<hbm>>)
    %dma_wait3A_303 = arith.constant 384 : i32
    %dma_wait3A_304 = arith.constant 0 : i32
    %dma_wait3A_305 = tpu.memref_slice %arg7[%dma_wait3A_303, %dma_wait3A_304] : memref<512x128xf32, #tpu.memory_space<vmem>> -> memref<64x128xf32, #tpu.memory_space<vmem>>
    %dma_wait3A_306 = arith.constant 0 : i32
    %dma_wait3A_307 = tpu.memref_slice %arg4[%add3A_210, %dma_wait3A_306] : memref<16384x128xf32, #tpu.memory_space<hbm>> -> memref<64x128xf32, #tpu.memory_space<hbm>>
    %dma_wait3A_308 = arith.constant 0 : i32
    %dma_wait3A_309 = tpu.memref_slice %arg4[%add3A_210, %dma_wait3A_308] : memref<16384x128xf32, #tpu.memory_space<hbm>> -> memref<64x128xf32, #tpu.memory_space<hbm>>
    %dma_wait3A_310 = arith.constant 384 : i32
    %dma_wait3A_311 = arith.constant 0 : i32
    %dma_wait3A_312 = tpu.memref_slice %arg7[%dma_wait3A_310, %dma_wait3A_311] : memref<512x128xf32, #tpu.memory_space<vmem>> -> memref<64x128xf32, #tpu.memory_space<vmem>>
    tpu.wait_dma2 semaphore(%arg16 : memref<!tpu.dma_semaphore, #tpu.memory_space<semaphore_mem>>) src(%dma_wait3A_312 : memref<64x128xf32, #tpu.memory_space<vmem>>) dst(%dma_wait3A_309 : memref<64x128xf32, #tpu.memory_space<hbm>>)
    %dma_wait3A_313 = arith.constant 448 : i32
    %dma_wait3A_314 = arith.constant 0 : i32
    %dma_wait3A_315 = tpu.memref_slice %arg7[%dma_wait3A_313, %dma_wait3A_314] : memref<512x128xf32, #tpu.memory_space<vmem>> -> memref<64x128xf32, #tpu.memory_space<vmem>>
    %dma_wait3A_316 = arith.constant 0 : i32
    %dma_wait3A_317 = tpu.memref_slice %arg4[%add3A_232, %dma_wait3A_316] : memref<16384x128xf32, #tpu.memory_space<hbm>> -> memref<64x128xf32, #tpu.memory_space<hbm>>
    %dma_wait3A_318 = arith.constant 0 : i32
    %dma_wait3A_319 = tpu.memref_slice %arg4[%add3A_232, %dma_wait3A_318] : memref<16384x128xf32, #tpu.memory_space<hbm>> -> memref<64x128xf32, #tpu.memory_space<hbm>>
    %dma_wait3A_320 = arith.constant 448 : i32
    %dma_wait3A_321 = arith.constant 0 : i32
    %dma_wait3A_322 = tpu.memref_slice %arg7[%dma_wait3A_320, %dma_wait3A_321] : memref<512x128xf32, #tpu.memory_space<vmem>> -> memref<64x128xf32, #tpu.memory_space<vmem>>
    tpu.wait_dma2 semaphore(%arg16 : memref<!tpu.dma_semaphore, #tpu.memory_space<semaphore_mem>>) src(%dma_wait3A_322 : memref<64x128xf32, #tpu.memory_space<vmem>>) dst(%dma_wait3A_319 : memref<64x128xf32, #tpu.memory_space<hbm>>)
    return
  }
}

</mosaic_0001>

<sc_bundles>
// kernel: kernel.3.cloned.1.call-start
scs
__scs_entry_jumppad:
0x0: {  	(pc) =	sbr.rel $0x88, $3  }
0x1: {  	(tag) =	ssettag $0x0;
	lr =	simm.s32 $0x1  }
0x2: {  	[smem:$0x3F9F] =	sst lr;
	_ =	strace $0xD0000000  }
0x3: {  	_ = 	snop  }
0x4: {  	_ = 	snop  }
0x5: {  	_ = 	snop  }
0x6: {  	_ = 	snop  }
0x7: {  	_ = 	snop  }
__scs_overlays_trampoline_lowered:
0x8: {  	[smem:$0x3FAE] =	sst s0  }
0x9: {  	[smem:$0x3FAF] =	sst s1  }
0xa: {  	[smem:$0x3FB0] =	sst s2  }
0xb: {  	[smem:$0x3FB1] =	sst s3  }
0xc: {  	[smem:$0x3FB2] =	sst s4  }
0xd: {  	[smem:$0x3FB3] =	sst s5  }
0xe: {  	[smem:$0x3FB4] =	sst s6  }
0xf: {  	[smem:$0x3FB5] =	sst s7  }
0x10: {  	[smem:$0x3FB6] =	sst s8  }
0x11: {  	[smem:$0x3FB7] =	sst s9;
	s0 =	simm.s32 @!p0 $0x0  }
0x12: {  	s1 =	sld [smem:$0x3F9D];
	s0 =	simm.s32 @p0 $0x1  }
0x13: {  	[smem:$0x3FB8] =	sst s0;
	s0 =	simm.s32 @!p1 $0x0  }
0x14: {  	s2 =	sld [smem:$0x3F9C];
	s0 =	simm.s32 @p1 $0x1  }
0x15: {  	[smem:$0x3FB9] =	sst s0;
	s0 =	simm.s32 @!p2 $0x0  }
0x16: {  	s3 =	sld [smem:$0x3FDB];
	s0 =	simm.s32 @p2 $0x1  }
0x17: {  	s4 =	simm.s32 $0x1BF5;
	[smem:$0x3FBB] =	sst s0  }
0x18: {  	s0 =	sld [smem:$0x3F9E];
	_ =	swait.ge [sflag:s4], $0x0  }
0x19: {  	s7 =	sld [smem:$0x3F9F]  }
0x1a: {  	s8 =	sadd.s32 $0xFFFFE003, lr  }
0x1b: {  	s9 =	sadd.s32 $0xFFFFFEF7, lr;
	s5 =	simm.s32 $0xFFFFFFFF;
	p2 =	slt.u32 s8, $0xFFFFF086  }
0x1c: {  	p1 =	slt.u32 s9, $0xF7A;
	s5 =	simm.s32 @!p2 $0x0  }
0x1d: {  	s5 =	simm.s32 @p1 $0x1;
	p0 =	seq.s32 s7, s2  }
0x1e: {  	s7 =	smul.u32 @!p0 $0xF7A, s2;
	p2 =	seq.s32 @!p0 s5, $0x0  }
0x1f: {  	s9 =	smul.u32 $0xF7A, s1;
	s8 =	simm.s32 @!p0 $0x1BF5;
	p2 =	por !p2, p0  }
0x20: {  	[sflag:s8] =	ssyncset.s32 @!p0 $0xFFFFF086;
	s6 =	sadd.s32 @!p0 s3, s7;
	s7 =	simm.s32 @!p0 $0x108  }
0x21: {  	s3 =	sadd.s32 s3, s9;
	s6 =	sadd.s32 @!p0 $0x88, s6;
	s7 =	simm.s32 @p2 $0x1082  }
0x22: {  	[simem:s7], [sflag:s8] =	dma.local @!p0 [hbm:s6], $0xF7A  }
0x23: {  	s9 =	sor.u32 $0xD0000000, s2;
	s6 =	simm.s32 $0x108;
	_ =	swait.ge @!p0 [sflag:s8], $0x0  }
0x24: {  	s3 =	sadd.s32 $0x88, s3;
	s6 =	simm.s32 @!p1 $0x1082;
	[sflag:s4] =	ssyncset.s32 $0xFFFFF086  }
0x25: {  	[simem:s6], [sflag:s4] =	dma.local [hbm:s3], $0xF7A  }
0x26: {  	[smem:$0x3F9F] =	sst s1;
	(tag) =	ssettag s2;
	_ =	strace s9  }
0x27: {  	s1 =	sld [smem:$0x3FAF]  }
0x28: {  	s2 =	sld [smem:$0x3FB0]  }
0x29: {  	s4 =	sld [smem:$0x3FB2]  }
0x2a: {  	p0 =	seq.s32 s5, $0x0;
	s5 =	sld [smem:$0x3FB3]  }
0x2b: {  	s6 =	sld [smem:$0x3FB4]  }
0x2c: {  	s7 =	sld [smem:$0x3FB5]  }
0x2d: {  	s3 =	simm.s32 $0x108;
	s8 =	sld [smem:$0x3FB6]  }
0x2e: {  	s3 =	simm.s32 @!p0 $0x1082;
	s9 =	sld [smem:$0x3FB7]  }
0x2f: {  	lr =	sadd.s32 s0, s3;
	s0 =	sld [smem:$0x3FAE]  }
0x30: {  	s3 =	sld [smem:$0x3FB1]  }
0x31: {  	[smem:$0x3FBA] =	sst s10  }
0x32: {  	s10 =	sld [smem:$0x3FB8];
	_ =	sdelay $0x3  }
0x33: {  	p0 =	seq.s32 s10, $0x1;
	s10 =	sld [smem:$0x3FBA];
	_ =	sdelay $0x3  }
0x34: {  	[smem:$0x3FBA] =	sst s10  }
0x35: {  	s10 =	sld [smem:$0x3FB9];
	_ =	sdelay $0x3  }
0x36: {  	p1 =	seq.s32 s10, $0x1;
	s10 =	sld [smem:$0x3FBA];
	_ =	sdelay $0x3  }
0x37: {  	[smem:$0x3FBA] =	sst s10  }
0x38: {  	s10 =	sld [smem:$0x3FBB]  }
0x39: {  	_ = 	snop;
	(pc) =	sbr.ind lr, $3  }
0x3a: {  	_ = 	snop  }
0x3b: {  	_ = 	snop  }
0x3c: {  	p2 =	seq.s32 s10, $0x1;
	s10 =	sld [smem:$0x3FBA]  }
0x3d: {  	_ =	shalt  }
0x3e: {  	_ =	shalt  }
0x3f: {  	_ =	shalt  }
0x40: {  	_ =	shalt  }
0x41: {  	_ =	shalt  }
0x42: {  	_ =	shalt  }
0x43: {  	_ =	shalt  }
0x44: {  	_ =	shalt  }
0x45: {  	_ =	shalt  }
0x46: {  	_ =	shalt  }
0x47: {  	_ =	shalt  }
0x48: {  	_ =	shalt  }
0x49: {  	_ =	shalt  }
0x4a: {  	_ =	shalt  }
0x4b: {  	_ =	shalt  }
0x4c: {  	_ =	shalt  }
0x4d: {  	_ =	shalt  }
0x4e: {  	_ =	shalt  }
0x4f: {  	_ =	shalt  }
0x50: {  	_ =	shalt  }
0x51: {  	_ =	shalt  }
0x52: {  	_ =	shalt  }
0x53: {  	_ =	shalt  }
0x54: {  	_ =	shalt  }
0x55: {  	_ =	shalt  }
0x56: {  	_ =	shalt  }
0x57: {  	_ =	shalt  }
0x58: {  	_ =	shalt  }
0x59: {  	_ =	shalt  }
0x5a: {  	_ =	shalt  }
0x5b: {  	_ =	shalt  }
0x5c: {  	_ =	shalt  }
0x5d: {  	_ =	shalt  }
0x5e: {  	_ =	shalt  }
0x5f: {  	_ =	shalt  }
0x60: {  	_ =	shalt  }
0x61: {  	_ =	shalt  }
0x62: {  	_ =	shalt  }
0x63: {  	_ =	shalt  }
0x64: {  	_ =	shalt  }
0x65: {  	_ =	shalt  }
0x66: {  	_ =	shalt  }
0x67: {  	_ =	shalt  }
0x68: {  	_ =	shalt  }
0x69: {  	_ =	shalt  }
0x6a: {  	_ =	shalt  }
0x6b: {  	_ =	shalt  }
0x6c: {  	_ =	shalt  }
0x6d: {  	_ =	shalt  }
0x6e: {  	_ =	shalt  }
0x6f: {  	_ =	shalt  }
0x70: {  	_ =	shalt  }
0x71: {  	_ =	shalt  }
0x72: {  	_ =	shalt  }
0x73: {  	_ =	shalt  }
0x74: {  	_ =	shalt  }
0x75: {  	_ =	shalt  }
0x76: {  	_ =	shalt  }
0x77: {  	_ =	shalt  }
0x78: {  	_ =	shalt  }
0x79: {  	_ =	shalt  }
0x7a: {  	_ =	shalt  }
0x7b: {  	_ =	shalt  }
0x7c: {  	_ =	shalt  }
0x7d: {  	_ =	shalt  }
0x7e: {  	_ =	shalt  }
0x7f: {  	_ =	shalt  }
0x80: {  	_ =	shalt  }
0x81: {  	_ =	shalt  }
0x82: {  	_ =	shalt  }
0x83: {  	_ =	shalt  }
0x84: {  	_ =	shalt  }
0x85: {  	_ =	shalt  }
0x86: {  	_ =	shalt  }
0x87: {  	_ =	shalt  }
.Lfunc_end0:
.L_simem_size_0:
called_computation_lowered:
.L_overlay_start_0:
0x88: {  	s2 =	sld [smem:$0x3FD9]  }
0x89: {  	s3 =	sld [smem:$0x3FFE];
	_ =	sdelay $0x1  }
0x8a: {  	s1 =	srdreg.scid  }
0x8b: {  	s0 =	sand.u32 $0x1, s1  }
0x8c: {  	s18 =	sshll.u32 s0, $0xA;
	s2 =	sadd.s32 s3, s2  }
0x8d: {  	s2 =	sadd.s32 s2, s18  }
0x8e: {  	[smem:$0x3FC6] =	sst s2  }
0x8f: {  	_ = 	snop  }
0x90: {  	s2 =	sld [smem:$0x3FC9]  }
0x91: {  	s19 =	sld [smem:$0x3FC8]  }
0x92: {  	s4 =	sld [smem:$0x3FD0];
	(tm) =	ssettm $0x1  }
0x93: {  	s5 =	sld [smem:$0x3FFB];
	_ =	sdelay $0x3  }
0x94: {  	_ =	strace s5  }
0x95: {  	s5 =	sld [smem:$0x3FFC];
	_ =	sdelay $0x3  }
0x96: {  	_ =	strace s5  }
0x97: {  	s5 =	sld [smem:$0x3FFD];
	_ =	sdelay $0x3  }
0x98: {  	_ =	strace s5  }
0x99: {  	_ =	strace $0x8FFFFFFF  }
0x9a: {  	s20 =	sld [smem:$0x3FDB];
	_ =	sdelay $0x1  }
0x9b: {  	s6 =	simm.s32 $_scs_section_size  }
0x9c: {  	s7 =	simm.s32 $_size__tile_overlayer_lowered;
	s8 =	simm.s32 $_tile_overlayer_lowered  }
0x9d: {  	s23 =	simm.s32 $0x1BFF;
	s22 =	sshll.u32 s8, $0x1;
	s5 =	sadd.s32 s6, s20  }
0x9e: {  	s9 =	simm.s32 $0x0;
	s21 =	sshll.u32 s7, $0x1;
	s7 =	sadd.s32 s22, s5  }
0x9f: {  	[timem:s9], [sflag:s23] =	dma.local [hbm:s7], s21  }
0xa0: {  	_ =	swait.ge [sflag:s23], s21  }
0xa1: {  	s6 =	ssub.s32 $0x0, s21;
	[sflag:s23] =	ssyncset.done $0x0  }
0xa2: {  	[sflag:s23] =	ssyncadd.s32 s6;
	_ =	sdelay $0x1  }
0xa3: {  	s24 =	simm.s32 $0x1B8B  }
0xa4: {  	_ =	swait.ge [sflag:s24], $0x1  }
0xa5: {  	[sflag:s24] =	ssyncset.done $0x0  }
0xa6: {  	s25 =	simm.s32 $0x1B8E;
	[sflag:s24] =	ssyncadd.s32 $0xFFFFFFFF  }
0xa7: {  	s26 =	simm.s32 $execute0_lowered;
	[smem:$0x3FD2] =	sst s25  }
0xa8: {  	s6 =	sshll.u32 s26, $0x1;
	_ =	strace $0x80000046;
	[dreg:$0x1] =	wrdreg $0xFFFFFFFF  }
0xa9: {  	s28 =	simm.s32 $_size_execute0_lowered;
	s5 =	sadd.s32 s5, s6;
	[dreg:$0x0] =	wrdreg $0x0  }
0xaa: {  	s6 =	sshll.u32 s28, $0x1;
	[dreg:$0x2] =	wrdreg s5  }
0xab: {  	[dreg:$0x3] =	wrdreg s6  }
0xac: {  	[dreg:$0x4] =	wrdreg $0xC0  }
0xad: {  	_ =	task [dreg:s9], $0x5FFFF  }
0xae: {  	[dreg:$0x1] =	wrdreg $0xFFFFFFFF  }
0xaf: {  	[dreg:$0x0] =	wrdreg $0x60  }
0xb0: {  	[dreg:$0x2] =	wrdreg s19  }
0xb1: {  	[dreg:$0x3] =	wrdreg s2  }
0xb2: {  	[dreg:$0x4] =	wrdreg s4  }
0xb3: {  	[dreg:$0x5] =	wrdreg $0x0  }
0xb4: {  	[dreg:$0x6] =	wrdreg $0x9  }
0xb5: {  	_ =	task.clear_ibuf [dreg:s9], $0x7FFFF;
	_ =	strace $0x90000046  }
0xb6: {  	s29 =	simm.s32 $0x9;
	_ =	strace $0x80000048  }
0xb7: {  	_ =	swait.ge [sflag:s29], $0x1  }
0xb8: {  	[sflag:s29] =	ssyncadd.s32 $0xFFFFFFFF  }
0xb9: {  	_ =	strace $0x90000048  }
0xba: {  	_ =	sfence  }
0xbb: {  	s30 =	sld [smem:$0x0];
	_ =	sdelay $0x2  }
0xbc: {  	s31 =	sshll.u32 s1, $0xD;
	s1 =	sshrl.u32 s1, $0x2  }
0xbd: {  	s3 =	sand.u32 $0x4000, s31;
	s1 =	sadd.s32 s1, s30  }
0xbe: {  	s0 =	sor.u32 s3, s0;
	s1 =	sshll.u32 s1, $0x11  }
0xbf: {  	s0 =	sor.u32 s1, s0  }
0xc0: {  	s0 =	sadd.s32 $0x8F2B, s0  }
0xc1: {  	[sflag:s0] =	ssyncadd.remote.s32 $0x1  }
0xc2: {  	_ =	sfence.sel $0xFFFF  }
0xc3: {  	[dreg:$0x0] =	wrdreg $0xFFFFFFFF;
	(pc) =	sbr.abs _section_cstart, $3  }
0xc4: {  	[dreg:$0x1] =	wrdreg $0xFFFFFFFF  }
0xc5: {  	_ =	task.clear_ibuf [dreg:s9], $0x2FFFF;
	_ =	strace $0x9FFFFFFF  }
0xc6: {  	(tm) =	ssettm $0x7FFFFFFF  }
0xc7: {  	_ =	shalt  }
tec
execute0_lowered:
.L_overlay_start_1:
0x0: {  	(tag) =	ssettag $0x1  }
0x1: {  	s0 =	rddreg [dreg:$0x0]  }
0x2: {  	s17 =	rddreg [dreg:$0x1]  }
0x3: {  	s1 =	srdreg.scid;
	s3 =	rddreg [dreg:$0x2]  }
0x4: {  	s5 =	stileid.u32;
	s2 =	rddreg [dreg:$0x3]  }
0x5: {  	s30 =	rddreg [dreg:$0x4];
	s16 =	simm.s32 $0x40;
	s26 =	simm.s32 $0x2D8  }
0x6: {  	s15 =	simm.s32 $0x498;
	s29 =	simm.s32 $0x318;
	s13 =	simm.s32 $0x2498  }
0x7: {  	s31 =	simm.s32 $0x358;
	s11 =	simm.s32 $0x4498;
	s9 =	simm.s32 $0x6498  }
0x8: {  	s8 =	simm.s32 $0x8498;
	s28 =	simm.s32 $0x458;
	s14 =	simm.s32 $0x6  }
0x9: {  	p1 =	por $0x0, $0x0;
	s12 =	simm.s32 $0x7;
	s10 =	simm.s32 $0x8  }
0xa: {  	[dreg:$0x5] =	wrdreg s0;
	s6 =	sand.u32 $0x1, s1;
	s1 =	simm.s32 $0x0  }
0xb: {  	s4 =	sshll.u32 s5, $0xA;
	p0 =	sne.s32 s5, $0x0;
	[smem:$0x7FF] =	sst s1  }
0xc: {  	s5 =	simm.s32 $0xE498;
	_ =	strace $0x80000047;
	[dreg:$0xf] =	wrdreg s26  }
0xd: {  	s7 =	sshll.u32 s6, $0x9;
	s22 =	ssub.s32 $0x2, s6;
	[dreg:$0x10] =	wrdreg s29  }
0xe: {  	s4 =	sor.u32 s7, s4;
	s6 =	sshrl.u32 s22, $0x1;
	[dreg:$0x11] =	wrdreg s31  }
0xf: {  	s26 =	simm.s32 $0x1;
	s7 =	sshrl.u32 s4, $0x3;
	s4 =	sshll.u32 s4, $0x4  }
0x10: {  	s0 =	sadd.s32 s17, s7;
	s4 =	sadd.s32 s3, s4;
	s3 =	ssub.s32 s22, s6  }
0x11: {  	s7 =	simm.s32 $0xA498;
	[dreg:$0x6] =	wrdreg s0;
	s18 =	sadd.s32 $0x400, s4  }
0x12: {  	s6 =	simm.s32 $0xC498;
	s19 =	sadd.s32 $0x800, s4;
	[dreg:$0x7] =	wrdreg s18  }
0x13: {  	s22 =	simm.s32 $0x2;
	s20 =	sadd.s32 $0xC00, s4;
	[dreg:$0x8] =	wrdreg s19  }
0x14: {  	s23 =	sadd.s32 $0x1400, s4;
	s3 =	smax.u32 s3, $0x1;
	[dreg:$0x9] =	wrdreg s20  }
0x15: {  	s21 =	sadd.s32 $0x1000, s4;
	[dreg:$0xb] =	wrdreg s23;
	s23 =	sadd.s32 $0xFFFFFFFF, s3  }
0x16: {  	s24 =	sadd.s32 $0x1800, s4;
	[dreg:$0xa] =	wrdreg s21;
	p2 =	sne.s32 s23, $0x0  }
.Ltmp0:
0x17: {  	s25 =	sadd.s32 $0x1C00, s4;
	[dreg:$0xc] =	wrdreg s24;
	(pc) =	sbr.rel @!p2 .LBB2_1-.Ltmp0, $4  }
0x18: {  	s17 =	simm.s32 $0x5;
	s0 =	sshrl.u32 @!p0 s2, $0x3;
	[dreg:$0xd] =	wrdreg s25  }
0x19: {  	[dreg:$0xe] =	wrdreg s0;
	s19 =	simm.s32 $0x298;
	s21 =	simm.s32 $0xA  }
0x1a: {  	s24 =	simm.s32 $0x3D8;
	s25 =	simm.s32 $0x418;
	s20 =	simm.s32 $0x3  }
0x1b: {  	s18 =	simm.s32 $0x4;
	s3 =	simm.s32 $0x9;
	s0 =	rddreg [dreg:$0xe]  }
0x1c: {  	s31 =	rddreg [dreg:$0x5]  }
0x1d: {  	[dreg:$0x12] =	wrdreg s23;
	s29 =	simm.s32 @!p0 $0x1C0A;
	s30 =	simm.s32 @!p0 $0xA  }
0x1e: {  	[spmem:s0], [sflag:s29] =	dma.local @!p0 [hbm:s31], $0x530  }
0x1f: {  	_ =	swait.ge @!p0 [sflag:s30], $0x530  }
0x20: {  	[sflag:s30] =	ssyncset.done @!p0 $0x0  }
0x21: {  	s0 =	rddreg [dreg:$0x6];
	[sflag:s30] =	ssyncadd.s32 @!p0 $0xFFFFFAD0  }
0x22: {  	[tilespmem:s19], [sflag:$0xA] =	stream.linear.gather [hbm4b:s0+s1], $0x200, $0x38;
	[tilespmem:$0x10498] =	vst v63  }
0x23: {  	_ =	swait.ge [sflag:s21], $0x200  }
0x24: {  	[sflag:s21] =	ssyncset.done $0x0  }
0x25: {  	[sflag:s21] =	ssyncadd.s32 $0xFFFFFE00  }
0x26: {  	[bflag:$0x0] =	sbarrier.arrive $0xFFFF  }
0x27: {  	[tilespmem:s15], [sflag:$0x1] =	stream.indirect.gather [spmem:s2], $0x80, s19, s16, $0xb8;
	[tilespmem:$0x10498] =	vst v63  }
0x28: {  	s0 =	rddreg [dreg:$0xf]  }
0x29: {  	[tilespmem:s13], [sflag:$0x2] =	stream.indirect.gather [spmem:s2], $0x80, s0, s16, $0xb8;
	[tilespmem:$0x10498] =	vst v63  }
0x2a: {  	s31 =	rddreg [dreg:$0x10]  }
0x2b: {  	[tilespmem:s11], [sflag:$0x3] =	stream.indirect.gather [spmem:s2], $0x80, s31, s16, $0xb8;
	[tilespmem:$0x10498] =	vst v63  }
0x2c: {  	s0 =	rddreg [dreg:$0x11]  }
0x2d: {  	[tilespmem:s9], [sflag:$0x4] =	stream.indirect.gather [spmem:s2], $0x80, s0, s16, $0xb8;
	[tilespmem:$0x10498] =	vst v63  }
0x2e: {  	s23 =	simm.s32 $0x398  }
0x2f: {  	[tilespmem:s8], [sflag:$0x5] =	stream.indirect.gather [spmem:s2], $0x80, s23, s16, $0xb8;
	[tilespmem:$0x10498] =	vst v63  }
0x30: {  	_ = 	snop  }
0x31: {  	[tilespmem:s7], [sflag:$0x6] =	stream.indirect.gather [spmem:s2], $0x80, s24, s16, $0xb8;
	[tilespmem:$0x10498] =	vst v63  }
0x32: {  	_ = 	snop  }
0x33: {  	[tilespmem:s6], [sflag:$0x7] =	stream.indirect.gather [spmem:s2], $0x80, s25, s16, $0xb8;
	[tilespmem:$0x10498] =	vst v63  }
0x34: {  	_ = 	snop  }
0x35: {  	[tilespmem:s5], [sflag:$0x8] =	stream.indirect.gather [spmem:s2], $0x80, s28, s16, $0xb8;
	[tilespmem:$0x10498] =	vst v63  }
0x36: {  	_ =	swait.ge [sflag:s26], $0x2000  }
0x37: {  	[sflag:s26] =	ssyncset.done $0x0  }
0x38: {  	[sflag:s26] =	ssyncadd.s32 $0xFFFFE000  }
0x39: {  	[hbm4b:s4+s1] =	stream.linear.scatter [tilespmem:s15], [sflag:$0x9], $0x2000, $0x38;
	[tilespmem:$0x10498] =	vst v63  }
0x3a: {  	_ =	swait.ge [sflag:s22], $0x2000  }
0x3b: {  	[sflag:s22] =	ssyncset.done $0x0  }
0x3c: {  	s23 =	rddreg [dreg:$0x7];
	[sflag:s22] =	ssyncadd.s32 $0xFFFFE000  }
0x3d: {  	[hbm4b:s23+s1] =	stream.linear.scatter [tilespmem:s13], [sflag:$0x9], $0x2000, $0x38;
	[tilespmem:$0x10498] =	vst v63  }
0x3e: {  	_ =	swait.ge [sflag:s20], $0x2000  }
0x3f: {  	[sflag:s20] =	ssyncset.done $0x0  }
0x40: {  	s23 =	rddreg [dreg:$0x8];
	[sflag:s20] =	ssyncadd.s32 $0xFFFFE000  }
0x41: {  	[hbm4b:s23+s1] =	stream.linear.scatter [tilespmem:s11], [sflag:$0x9], $0x2000, $0x38;
	[tilespmem:$0x10498] =	vst v63  }
0x42: {  	_ =	swait.ge [sflag:s18], $0x2000  }
0x43: {  	[sflag:s18] =	ssyncset.done $0x0  }
0x44: {  	s23 =	rddreg [dreg:$0x9];
	[sflag:s18] =	ssyncadd.s32 $0xFFFFE000  }
0x45: {  	[hbm4b:s23+s1] =	stream.linear.scatter [tilespmem:s9], [sflag:$0x9], $0x2000, $0x38;
	[tilespmem:$0x10498] =	vst v63  }
0x46: {  	_ =	swait.ge [sflag:s17], $0x2000  }
0x47: {  	[sflag:s17] =	ssyncset.done $0x0  }
0x48: {  	s23 =	rddreg [dreg:$0xa];
	[sflag:s17] =	ssyncadd.s32 $0xFFFFE000  }
0x49: {  	[hbm4b:s23+s1] =	stream.linear.scatter [tilespmem:s8], [sflag:$0x9], $0x2000, $0x38;
	[tilespmem:$0x10498] =	vst v63  }
0x4a: {  	_ =	swait.ge [sflag:s14], $0x2000  }
0x4b: {  	[sflag:s14] =	ssyncset.done $0x0  }
0x4c: {  	s23 =	rddreg [dreg:$0xb];
	[sflag:s14] =	ssyncadd.s32 $0xFFFFE000  }
0x4d: {  	[hbm4b:s23+s1] =	stream.linear.scatter [tilespmem:s7], [sflag:$0x9], $0x2000, $0x38;
	[tilespmem:$0x10498] =	vst v63  }
0x4e: {  	_ =	swait.ge [sflag:s12], $0x2000  }
0x4f: {  	[sflag:s12] =	ssyncset.done $0x0  }
0x50: {  	s23 =	rddreg [dreg:$0xc];
	[sflag:s12] =	ssyncadd.s32 $0xFFFFE000  }
0x51: {  	[hbm4b:s23+s1] =	stream.linear.scatter [tilespmem:s6], [sflag:$0x9], $0x2000, $0x38;
	[tilespmem:$0x10498] =	vst v63  }
0x52: {  	_ =	swait.ge [sflag:s10], $0x2000  }
0x53: {  	[sflag:s10] =	ssyncset.done $0x0  }
0x54: {  	s23 =	rddreg [dreg:$0xd];
	[sflag:s10] =	ssyncadd.s32 $0xFFFFE000  }
0x55: {  	[hbm4b:s23+s1] =	stream.linear.scatter [tilespmem:s5], [sflag:$0x9], $0x2000, $0x38;
	[tilespmem:$0x10498] =	vst v63  }
0x56: {  	_ =	swait.ge [sflag:s3], $0x2000  }
0x57: {  	[sflag:s3] =	ssyncset.done $0x0  }
0x58: {  	[sflag:s3] =	ssyncadd.s32 $0xFFFFE000  }
0x59: {  	_ =	swait.ge [sflag:s3], $0x2000  }
0x5a: {  	[sflag:s3] =	ssyncset.done $0x0  }
0x5b: {  	[sflag:s3] =	ssyncadd.s32 $0xFFFFE000  }
0x5c: {  	_ =	swait.ge [sflag:s3], $0x2000  }
0x5d: {  	[sflag:s3] =	ssyncset.done $0x0  }
0x5e: {  	[sflag:s3] =	ssyncadd.s32 $0xFFFFE000  }
0x5f: {  	_ =	swait.ge [sflag:s3], $0x2000  }
0x60: {  	[sflag:s3] =	ssyncset.done $0x0  }
0x61: {  	[sflag:s3] =	ssyncadd.s32 $0xFFFFE000  }
0x62: {  	_ =	swait.ge [sflag:s3], $0x2000  }
0x63: {  	[sflag:s3] =	ssyncset.done $0x0  }
0x64: {  	[sflag:s3] =	ssyncadd.s32 $0xFFFFE000  }
0x65: {  	_ =	swait.ge [sflag:s3], $0x2000  }
0x66: {  	[sflag:s3] =	ssyncset.done $0x0  }
0x67: {  	[sflag:s3] =	ssyncadd.s32 $0xFFFFE000  }
0x68: {  	_ =	swait.ge [sflag:s3], $0x2000  }
0x69: {  	s23 =	rddreg [dreg:$0x12]  }
0x6a: {  	s31 =	sadd.s32 $0xFFFFFFFF, s23  }
0x6b: {  	p2 =	sne.s32 s31, $0x0  }
.Ltmp1:
0x6c: {  	_ = 	snop;
	(pc) =	sbr.rel @!p2 .LBB2_3-.Ltmp1, $4  }
0x6d: {  	[sflag:s3] =	ssyncset.done $0x0  }
0x6e: {  	[sflag:s3] =	ssyncadd.s32 $0xFFFFE000  }
0x6f: {  	_ =	swait.ge [sflag:s3], $0x2000  }
0x70: {  	p1 =	por $0x1, $0x1;
	s0 =	rddreg [dreg:$0xe];
	[sflag:s3] =	ssyncset.done $0x0  }
.LBB2_4:
0x71: {  	s23 =	rddreg [dreg:$0x5];
	[sflag:s3] =	ssyncadd.s32 $0xFFFFE000  }
0x72: {  	[spmem:s0], [sflag:s29] =	dma.local @!p0 [hbm:s23], $0x530  }
0x73: {  	_ =	swait.ge @!p0 [sflag:s30], $0x530  }
0x74: {  	[sflag:s30] =	ssyncset.done @!p0 $0x0  }
0x75: {  	s23 =	rddreg [dreg:$0x6];
	[sflag:s30] =	ssyncadd.s32 @!p0 $0xFFFFFAD0  }
0x76: {  	[tilespmem:s19], [sflag:$0xA] =	stream.linear.gather [hbm4b:s23+s1], $0x200, $0x38;
	[tilespmem:$0x10498] =	vst v63  }
0x77: {  	_ =	swait.ge [sflag:s21], $0x200  }
0x78: {  	[sflag:s21] =	ssyncset.done $0x0  }
0x79: {  	[sflag:s21] =	ssyncadd.s32 $0xFFFFFE00  }
0x7a: {  	[bflag:$0x0] =	sbarrier.arrive $0xFFFF  }
0x7b: {  	[tilespmem:s15], [sflag:$0x1] =	stream.indirect.gather [spmem:s2], $0x80, s19, s16, $0xb8;
	[tilespmem:$0x10498] =	vst v63  }
0x7c: {  	s0 =	rddreg [dreg:$0xf]  }
0x7d: {  	[tilespmem:s13], [sflag:$0x2] =	stream.indirect.gather [spmem:s2], $0x80, s0, s16, $0xb8;
	[tilespmem:$0x10498] =	vst v63  }
0x7e: {  	s23 =	rddreg [dreg:$0x10]  }
0x7f: {  	[tilespmem:s11], [sflag:$0x3] =	stream.indirect.gather [spmem:s2], $0x80, s23, s16, $0xb8;
	[tilespmem:$0x10498] =	vst v63  }
0x80: {  	s0 =	rddreg [dreg:$0x11]  }
0x81: {  	[tilespmem:s9], [sflag:$0x4] =	stream.indirect.gather [spmem:s2], $0x80, s0, s16, $0xb8;
	[tilespmem:$0x10498] =	vst v63  }
0x82: {  	s23 =	simm.s32 $0x398  }
0x83: {  	[tilespmem:s8], [sflag:$0x5] =	stream.indirect.gather [spmem:s2], $0x80, s23, s16, $0xb8;
	[tilespmem:$0x10498] =	vst v63  }
0x84: {  	_ = 	snop  }
0x85: {  	[tilespmem:s7], [sflag:$0x6] =	stream.indirect.gather [spmem:s2], $0x80, s24, s16, $0xb8;
	[tilespmem:$0x10498] =	vst v63  }
0x86: {  	_ = 	snop  }
0x87: {  	[tilespmem:s6], [sflag:$0x7] =	stream.indirect.gather [spmem:s2], $0x80, s25, s16, $0xb8;
	[tilespmem:$0x10498] =	vst v63  }
0x88: {  	_ = 	snop  }
0x89: {  	[tilespmem:s5], [sflag:$0x8] =	stream.indirect.gather [spmem:s2], $0x80, s28, s16, $0xb8;
	[tilespmem:$0x10498] =	vst v63  }
0x8a: {  	_ =	swait.ge [sflag:s26], $0x2000  }
0x8b: {  	[sflag:s26] =	ssyncset.done $0x0  }
0x8c: {  	[sflag:s26] =	ssyncadd.s32 $0xFFFFE000  }
0x8d: {  	[hbm4b:s4+s1] =	stream.linear.scatter [tilespmem:s15], [sflag:$0x9], $0x2000, $0x38;
	[tilespmem:$0x10498] =	vst v63  }
0x8e: {  	_ =	swait.ge [sflag:s22], $0x2000  }
0x8f: {  	[sflag:s22] =	ssyncset.done $0x0  }
0x90: {  	s23 =	rddreg [dreg:$0x7];
	[sflag:s22] =	ssyncadd.s32 $0xFFFFE000  }
0x91: {  	[hbm4b:s23+s1] =	stream.linear.scatter [tilespmem:s13], [sflag:$0x9], $0x2000, $0x38;
	[tilespmem:$0x10498] =	vst v63  }
0x92: {  	_ =	swait.ge [sflag:s20], $0x2000  }
0x93: {  	[sflag:s20] =	ssyncset.done $0x0  }
0x94: {  	s23 =	rddreg [dreg:$0x8];
	[sflag:s20] =	ssyncadd.s32 $0xFFFFE000  }
0x95: {  	[hbm4b:s23+s1] =	stream.linear.scatter [tilespmem:s11], [sflag:$0x9], $0x2000, $0x38;
	[tilespmem:$0x10498] =	vst v63  }
0x96: {  	_ =	swait.ge [sflag:s18], $0x2000  }
0x97: {  	[sflag:s18] =	ssyncset.done $0x0  }
0x98: {  	s23 =	rddreg [dreg:$0x9];
	[sflag:s18] =	ssyncadd.s32 $0xFFFFE000  }
0x99: {  	[hbm4b:s23+s1] =	stream.linear.scatter [tilespmem:s9], [sflag:$0x9], $0x2000, $0x38;
	[tilespmem:$0x10498] =	vst v63  }
0x9a: {  	_ =	swait.ge [sflag:s17], $0x2000  }
0x9b: {  	[sflag:s17] =	ssyncset.done $0x0  }
0x9c: {  	s23 =	rddreg [dreg:$0xa];
	[sflag:s17] =	ssyncadd.s32 $0xFFFFE000  }
0x9d: {  	[hbm4b:s23+s1] =	stream.linear.scatter [tilespmem:s8], [sflag:$0x9], $0x2000, $0x38;
	[tilespmem:$0x10498] =	vst v63  }
0x9e: {  	_ =	swait.ge [sflag:s14], $0x2000  }
0x9f: {  	[sflag:s14] =	ssyncset.done $0x0  }
0xa0: {  	s23 =	rddreg [dreg:$0xb];
	[sflag:s14] =	ssyncadd.s32 $0xFFFFE000  }
0xa1: {  	[hbm4b:s23+s1] =	stream.linear.scatter [tilespmem:s7], [sflag:$0x9], $0x2000, $0x38;
	[tilespmem:$0x10498] =	vst v63  }
0xa2: {  	_ =	swait.ge [sflag:s12], $0x2000  }
0xa3: {  	[sflag:s12] =	ssyncset.done $0x0  }
0xa4: {  	s23 =	rddreg [dreg:$0xc];
	[sflag:s12] =	ssyncadd.s32 $0xFFFFE000  }
0xa5: {  	[hbm4b:s23+s1] =	stream.linear.scatter [tilespmem:s6], [sflag:$0x9], $0x2000, $0x38;
	[tilespmem:$0x10498] =	vst v63  }
0xa6: {  	_ =	swait.ge [sflag:s10], $0x2000  }
0xa7: {  	[sflag:s10] =	ssyncset.done $0x0  }
0xa8: {  	s23 =	rddreg [dreg:$0xd];
	[sflag:s10] =	ssyncadd.s32 $0xFFFFE000  }
0xa9: {  	[hbm4b:s23+s1] =	stream.linear.scatter [tilespmem:s5], [sflag:$0x9], $0x2000, $0x38;
	[tilespmem:$0x10498] =	vst v63  }
0xaa: {  	_ =	swait.ge [sflag:s3], $0x2000  }
0xab: {  	[sflag:s3] =	ssyncset.done $0x0  }
0xac: {  	[sflag:s3] =	ssyncadd.s32 $0xFFFFE000  }
0xad: {  	_ =	swait.ge [sflag:s3], $0x2000  }
0xae: {  	[sflag:s3] =	ssyncset.done $0x0  }
0xaf: {  	[sflag:s3] =	ssyncadd.s32 $0xFFFFE000  }
0xb0: {  	_ =	swait.ge [sflag:s3], $0x2000  }
0xb1: {  	[sflag:s3] =	ssyncset.done $0x0  }
0xb2: {  	[sflag:s3] =	ssyncadd.s32 $0xFFFFE000  }
0xb3: {  	_ =	swait.ge [sflag:s3], $0x2000  }
0xb4: {  	[sflag:s3] =	ssyncset.done $0x0  }
0xb5: {  	[sflag:s3] =	ssyncadd.s32 $0xFFFFE000  }
0xb6: {  	_ =	swait.ge [sflag:s3], $0x2000  }
0xb7: {  	[sflag:s3] =	ssyncset.done $0x0  }
0xb8: {  	[sflag:s3] =	ssyncadd.s32 $0xFFFFE000  }
0xb9: {  	_ =	swait.ge [sflag:s3], $0x2000  }
0xba: {  	s31 =	sadd.s32 $0xFFFFFFFF, s31;
	[sflag:s3] =	ssyncset.done $0x0  }
0xbb: {  	p2 =	sne.s32 s31, $0x0;
	[sflag:s3] =	ssyncadd.s32 $0xFFFFE000  }
.Ltmp2:
0xbc: {  	_ =	swait.ge [sflag:s3], $0x2000;
	(pc) =	sbr.rel @p2 .LBB2_4-.Ltmp2, $4  }
0xbd: {  	[sflag:s3] =	ssyncset.done $0x0  }
0xbe: {  	[sflag:s3] =	ssyncadd.s32 $0xFFFFE000  }
0xbf: {  	_ =	swait.ge [sflag:s3], $0x2000  }
0xc0: {  	s0 =	rddreg [dreg:$0xe];
	[sflag:s3] =	ssyncset.done $0x0  }
0xc1: {  	s31 =	simm.s32 $0x398;
	s30 =	rddreg [dreg:$0x4]  }
.LBB2_6:
0xc2: {  	s23 =	rddreg [dreg:$0x5];
	[sflag:s3] =	ssyncadd.s32 @p1 $0xFFFFE000;
	s29 =	simm.s32 @!p0 $0x1C0A  }
0xc3: {  	[spmem:s0], [sflag:s29] =	dma.local @!p0 [hbm:s23], $0x530  }
0xc4: {  	s0 =	simm.s32 @!p0 $0xA  }
0xc5: {  	_ =	swait.ge @!p0 [sflag:s0], $0x530  }
0xc6: {  	[sflag:s0] =	ssyncset.done @!p0 $0x0  }
0xc7: {  	s29 =	rddreg [dreg:$0x6];
	[sflag:s0] =	ssyncadd.s32 @!p0 $0xFFFFFAD0  }
0xc8: {  	[tilespmem:s19], [sflag:$0xA] =	stream.linear.gather [hbm4b:s29+s1], $0x200, $0x38;
	[tilespmem:$0x10498] =	vst v63  }
0xc9: {  	_ =	swait.ge [sflag:s21], $0x200  }
0xca: {  	[sflag:s21] =	ssyncset.done $0x0  }
0xcb: {  	[sflag:s21] =	ssyncadd.s32 $0xFFFFFE00  }
0xcc: {  	[bflag:$0x0] =	sbarrier.arrive $0xFFFF  }
0xcd: {  	[tilespmem:s15], [sflag:$0x1] =	stream.indirect.gather [spmem:s2], $0x80, s19, s16, $0xb8;
	[tilespmem:$0x10498] =	vst v63  }
0xce: {  	s23 =	rddreg [dreg:$0xf]  }
0xcf: {  	[tilespmem:s13], [sflag:$0x2] =	stream.indirect.gather [spmem:s2], $0x80, s23, s16, $0xb8;
	[tilespmem:$0x10498] =	vst v63  }
0xd0: {  	s29 =	rddreg [dreg:$0x10]  }
0xd1: {  	[tilespmem:s11], [sflag:$0x3] =	stream.indirect.gather [spmem:s2], $0x80, s29, s16, $0xb8;
	[tilespmem:$0x10498] =	vst v63  }
0xd2: {  	s21 =	rddreg [dreg:$0x11]  }
0xd3: {  	[tilespmem:s9], [sflag:$0x4] =	stream.indirect.gather [spmem:s2], $0x80, s21, s16, $0xb8;
	[tilespmem:$0x10498] =	vst v63  }
0xd4: {  	_ = 	snop  }
0xd5: {  	[tilespmem:s8], [sflag:$0x5] =	stream.indirect.gather [spmem:s2], $0x80, s31, s16, $0xb8;
	[tilespmem:$0x10498] =	vst v63  }
0xd6: {  	_ = 	snop  }
0xd7: {  	[tilespmem:s7], [sflag:$0x6] =	stream.indirect.gather [spmem:s2], $0x80, s24, s16, $0xb8;
	[tilespmem:$0x10498] =	vst v63  }
0xd8: {  	_ = 	snop  }
0xd9: {  	[tilespmem:s6], [sflag:$0x7] =	stream.indirect.gather [spmem:s2], $0x80, s25, s16, $0xb8;
	[tilespmem:$0x10498] =	vst v63  }
0xda: {  	_ = 	snop  }
0xdb: {  	[tilespmem:s5], [sflag:$0x8] =	stream.indirect.gather [spmem:s2], $0x80, s28, s16, $0xb8;
	[tilespmem:$0x10498] =	vst v63  }
0xdc: {  	_ =	swait.ge [sflag:s26], $0x2000  }
0xdd: {  	[sflag:s26] =	ssyncset.done $0x0  }
0xde: {  	[sflag:s26] =	ssyncadd.s32 $0xFFFFE000  }
0xdf: {  	[hbm4b:s4+s1] =	stream.linear.scatter [tilespmem:s15], [sflag:$0x9], $0x2000, $0x38;
	[tilespmem:$0x10498] =	vst v63  }
0xe0: {  	_ =	swait.ge [sflag:s22], $0x2000  }
0xe1: {  	[sflag:s22] =	ssyncset.done $0x0  }
0xe2: {  	s23 =	rddreg [dreg:$0x7];
	[sflag:s22] =	ssyncadd.s32 $0xFFFFE000  }
0xe3: {  	[hbm4b:s23+s1] =	stream.linear.scatter [tilespmem:s13], [sflag:$0x9], $0x2000, $0x38;
	[tilespmem:$0x10498] =	vst v63  }
0xe4: {  	_ =	swait.ge [sflag:s20], $0x2000  }
0xe5: {  	[sflag:s20] =	ssyncset.done $0x0  }
0xe6: {  	s24 =	rddreg [dreg:$0x8];
	[sflag:s20] =	ssyncadd.s32 $0xFFFFE000  }
0xe7: {  	[hbm4b:s24+s1] =	stream.linear.scatter [tilespmem:s11], [sflag:$0x9], $0x2000, $0x38;
	[tilespmem:$0x10498] =	vst v63  }
0xe8: {  	_ =	swait.ge [sflag:s18], $0x2000  }
0xe9: {  	[sflag:s18] =	ssyncset.done $0x0  }
0xea: {  	s25 =	rddreg [dreg:$0x9];
	[sflag:s18] =	ssyncadd.s32 $0xFFFFE000  }
0xeb: {  	[hbm4b:s25+s1] =	stream.linear.scatter [tilespmem:s9], [sflag:$0x9], $0x2000, $0x38;
	[tilespmem:$0x10498] =	vst v63  }
0xec: {  	_ =	swait.ge [sflag:s17], $0x2000  }
0xed: {  	[sflag:s17] =	ssyncset.done $0x0  }
0xee: {  	s26 =	rddreg [dreg:$0xa];
	[sflag:s17] =	ssyncadd.s32 $0xFFFFE000  }
0xef: {  	[hbm4b:s26+s1] =	stream.linear.scatter [tilespmem:s8], [sflag:$0x9], $0x2000, $0x38;
	[tilespmem:$0x10498] =	vst v63  }
0xf0: {  	_ =	swait.ge [sflag:s14], $0x2000  }
0xf1: {  	[sflag:s14] =	ssyncset.done $0x0  }
0xf2: {  	s28 =	rddreg [dreg:$0xb];
	[sflag:s14] =	ssyncadd.s32 $0xFFFFE000  }
0xf3: {  	[hbm4b:s28+s1] =	stream.linear.scatter [tilespmem:s7], [sflag:$0x9], $0x2000, $0x38;
	[tilespmem:$0x10498] =	vst v63  }
0xf4: {  	_ =	swait.ge [sflag:s12], $0x2000  }
0xf5: {  	[sflag:s12] =	ssyncset.done $0x0  }
0xf6: {  	s29 =	rddreg [dreg:$0xc];
	[sflag:s12] =	ssyncadd.s32 $0xFFFFE000  }
0xf7: {  	[hbm4b:s29+s1] =	stream.linear.scatter [tilespmem:s6], [sflag:$0x9], $0x2000, $0x38;
	[tilespmem:$0x10498] =	vst v63  }
0xf8: {  	_ =	swait.ge [sflag:s10], $0x2000  }
0xf9: {  	[sflag:s10] =	ssyncset.done $0x0  }
0xfa: {  	s31 =	rddreg [dreg:$0xd];
	[sflag:s10] =	ssyncadd.s32 $0xFFFFE000  }
0xfb: {  	[hbm4b:s31+s1] =	stream.linear.scatter [tilespmem:s5], [sflag:$0x9], $0x2000, $0x38;
	[tilespmem:$0x10498] =	vst v63  }
0xfc: {  	_ =	swait.ge [sflag:s3], $0x2000  }
0xfd: {  	[sflag:s3] =	ssyncset.done $0x0  }
0xfe: {  	[sflag:s3] =	ssyncadd.s32 $0xFFFFE000  }
0xff: {  	_ =	swait.ge [sflag:s3], $0x2000  }
0x100: {  	[sflag:s3] =	ssyncset.done $0x0  }
0x101: {  	[sflag:s3] =	ssyncadd.s32 $0xFFFFE000  }
0x102: {  	_ =	swait.ge [sflag:s3], $0x2000  }
0x103: {  	[sflag:s3] =	ssyncset.done $0x0  }
0x104: {  	[sflag:s3] =	ssyncadd.s32 $0xFFFFE000  }
0x105: {  	_ =	swait.ge [sflag:s3], $0x2000  }
0x106: {  	[sflag:s3] =	ssyncset.done $0x0  }
0x107: {  	[sflag:s3] =	ssyncadd.s32 $0xFFFFE000  }
0x108: {  	_ =	swait.ge [sflag:s3], $0x2000  }
0x109: {  	[sflag:s3] =	ssyncset.done $0x0  }
0x10a: {  	[sflag:s3] =	ssyncadd.s32 $0xFFFFE000  }
0x10b: {  	_ =	swait.ge [sflag:s3], $0x2000  }
0x10c: {  	[sflag:s3] =	ssyncset.done $0x0  }
0x10d: {  	[sflag:s3] =	ssyncadd.s32 $0xFFFFE000  }
0x10e: {  	_ =	swait.ge [sflag:s3], $0x2000  }
0x10f: {  	[sflag:s3] =	ssyncset.done $0x0  }
0x110: {  	[sflag:s3] =	ssyncadd.s32 $0xFFFFE000  }
0x111: {  	_ =	swait.ge [sflag:s3], $0x2000  }
0x112: {  	[sflag:s3] =	ssyncset.done $0x0  }
0x113: {  	[sflag:s3] =	ssyncadd.s32 $0xFFFFE000  }
0x114: {  	_ =	sfence.sel $0x180000  }
0x115: {  	[bflag:$0x0] =	sbarrier.arrive $0xFFFF  }
0x116: {  	_ =	strace $0x90000047  }
0x117: {  	s0 =	sadd.s32 @!p0 $0x100000, s30;
	[bflag:$0x2] =	sbarrier.arrive $0xFFFF  }
0x118: {  	[sflag:s0] =	ssyncadd.tile.s32 @!p0 $0x1;
	_ =	shalt  }
.LBB2_1:
.Ltmp3:
0x119: {  	(pc) =	sbr.rel .LBB2_6-.Ltmp3, $2  }
0x11a: {  	_ =	sdelay $0x2  }
0x11b: {  	s31 =	simm.s32 $0x398  }
.LBB2_3:
.Ltmp4:
0x11c: {  	(pc) =	sbr.rel .LBB2_6-.Ltmp4, $2  }
0x11d: {  	_ =	sdelay $0x2  }
0x11e: {  	s31 =	simm.s32 $0x398;
	s30 =	rddreg [dreg:$0x4]  }
.Lfunc_end2:
_tile_overlayer_lowered:
.L_overlay_start_2:
0x11f: {  	(tag) =	ssettag $0x2  }
0x120: {  	s0 =	rddreg [dreg:$0x0];
	s2 =	stileid.u32  }
0x121: {  	s1 =	rddreg [dreg:$0x1];
	p0 =	sne.s32 s2, $0x0  }
0x122: {  	s3 =	rddreg [dreg:$0x2];
	[bflag:$0x3] =	sbarrier.arrive $0xFFFF;
	s2 =	simm.s32 @!p0 $0x1C0A  }
0x123: {  	[timem:s3], [sflag:s2] =	dma.local @!p0 [hbm:s0], s1  }
0x124: {  	s0 =	simm.s32 @!p0 $0xA  }
0x125: {  	_ =	swait.ge @!p0 [sflag:s0], s1  }
0x126: {  	s1 =	ssub.s32 @!p0 $0x0, s1;
	[sflag:s0] =	ssyncset.done @!p0 $0x0  }
0x127: {  	[sflag:s0] =	ssyncadd.s32 @!p0 s1  }
0x128: {  	[bflag:$0x3] =	sbarrier.arrive $0xFFFF  }
0x129: {  	_ =	shalt  }

</sc_bundles>
